<compile_context>
chip_gen: v7x
topology: tpu7x:2x2x1
jax: 0.10.2.dev20260603
libtpu: 0.0.44.dev20260713+nightly
codegen_flags: <defaults>
</compile_context>

<pallas_src>
import functools

import jax
import jax.numpy as jnp
from jax import lax
from jax.experimental import pallas as pl
from jax.experimental.pallas import tpu as pltpu
from jax.experimental.pallas import tpu_sc as plsc

VOCAB = 1000
BATCH = 4096
BLOCK = 8
TOTAL = BATCH * BLOCK
NC = 2
NS = 16
NW = NC * NS
B_PER_W = TOTAL // NW
CHUNK = 64
N_CHUNKS = B_PER_W // CHUNK


def _sc_gather(idx_flat, W):
    mesh = plsc.VectorSubcoreMesh(core_axis_name="c", subcore_axis_name="s")

    @functools.partial(
        pl.kernel,
        mesh=mesh,
        compiler_params=pltpu.CompilerParams(use_tc_tiling_on_sc=False),
        out_type=jax.ShapeDtypeStruct((TOTAL, VOCAB), jnp.float32),
        scratch_types=[
            pltpu.VMEM((B_PER_W,), jnp.int32),
            pltpu.VMEM((CHUNK, VOCAB), jnp.float32),
            pltpu.VMEM((CHUNK, VOCAB), jnp.float32),
            pltpu.SemaphoreType.DMA,
            pltpu.SemaphoreType.DMA,
            pltpu.SemaphoreType.DMA,
            pltpu.SemaphoreType.DMA,
        ],
    )
    def k(idx_hbm, w_hbm, out_hbm, idx_v, rows0, rows1,
          gsem0, gsem1, ssem0, ssem1):
        wid = lax.axis_index("s") * NC + lax.axis_index("c")
        base = wid * B_PER_W
        pltpu.sync_copy(idx_hbm.at[pl.ds(base, B_PER_W)], idx_v)

        bufs = (rows0, rows1)
        gsems = (gsem0, gsem1)
        ssems = (ssem0, ssem1)

        def start_gather(g):
            b = g % 2
            return pltpu.async_copy(
                w_hbm.at[idx_v.at[pl.ds(g * CHUNK, CHUNK)]], bufs[b], gsems[b]
            )

        def start_scatter(g):
            b = g % 2
            return pltpu.async_copy(
                bufs[b], out_hbm.at[pl.ds(base + g * CHUNK, CHUNK)], ssems[b]
            )

        g_h = [None] * N_CHUNKS
        s_h = [None] * N_CHUNKS
        g_h[0] = start_gather(0)
        for g in range(N_CHUNKS):
            g_h[g].wait()
            s_h[g] = start_scatter(g)
            if g + 1 < N_CHUNKS:
                if g >= 1:
                    s_h[g - 1].wait()
                g_h[g + 1] = start_gather(g + 1)
        if N_CHUNKS >= 2:
            s_h[N_CHUNKS - 2].wait()
        s_h[N_CHUNKS - 1].wait()

    return k(idx_flat, W)


def kernel(idx, W):
    idx_flat = idx.reshape(-1).astype(jnp.int32)
    out = _sc_gather(idx_flat, W)
    return out.reshape(BATCH, BLOCK, VOCAB)

# --- scband reference (transcript-rebuilt; emitter-appended) ---
"""Pipeline reference for scband-bigram-language-model-12283606468093 (READ-ONLY COPY).

The authoritative reference and input builder live on the scoring server;
editing this copy changes nothing except your own understanding.
"""

import jax, jax.numpy as jnp
import numpy as np

VOCAB_SIZE = 1000
BATCH = 4096
BLOCK_SIZE = 8

def setup_inputs(seed: int = 0) -> dict:
    key = jax.random.key(seed)
    k_idx, k_w = jax.random.split(key)
    idx = jax.random.randint(k_idx, (BATCH, BLOCK_SIZE), 0, VOCAB_SIZE, dtype=jnp.int64 if jax.config.jax_enable_x64 else jnp.int32)
    # Embedding table: [vocab_size, vocab_size] (output_dim == vocab_size in bigram LM)
    W = jax.random.normal(k_w, (VOCAB_SIZE, VOCAB_SIZE), dtype=jnp.float32) * 0.05
    return {"idx": idx, "W": W}

def reference(idx, W):
    # Bigram LM forward (targets=None branch): logits = embedding lookup
    # logits: [batch, block_size, vocab_size]
    logits = jnp.take(W, idx, axis=0)
    return logits

if __name__ == "__main__":
    import jax
    _d = setup_inputs()
    print(jax.jit(kernel)(*tuple(_d.values())))

</pallas_src>

<mosaic_0001>
#map = affine_map<(d0, d1) -> (0)>
#map1 = affine_map<(d0, d1) -> (0, 0)>
module attributes {stable_mosaic.version = 14 : i64} {
  func.func @k(%arg0: i32, %arg1: i32, %arg2: memref<32768xi32, #tpu.memory_space<hbm>>, %arg3: memref<1000x1000xf32, #tpu.memory_space<hbm>>, %arg4: memref<32768x1000xf32, #tpu.memory_space<hbm>>, %arg5: memref<1024xi32, #tpu.memory_space<vmem>>, %arg6: memref<64x1000xf32, #tpu.memory_space<vmem>>, %arg7: memref<64x1000xf32, #tpu.memory_space<vmem>>, %arg8: memref<!tpu.dma_semaphore, #tpu.memory_space<semaphore_mem>>, %arg9: memref<!tpu.dma_semaphore, #tpu.memory_space<semaphore_mem>>, %arg10: memref<!tpu.dma_semaphore, #tpu.memory_space<semaphore_mem>>, %arg11: memref<!tpu.dma_semaphore, #tpu.memory_space<semaphore_mem>>) attributes {dimension_semantics = [#tpu.dimension_semantics<core_parallel>, #tpu.dimension_semantics<subcore_parallel>], iteration_bounds = array<i64: 2, 16>, scalar_prefetch = 0 : i64, scratch_operands = 7 : i64, tpu.core_type = #tpu.core_type<sc_vector_subcore>, window_params = [{transform_indices = #map}, {transform_indices = #map1}, {transform_indices = #map1}]} {
    %mul3A = arith.constant 2 : i32
    %mul3A_0 = arith.muli %arg1, %mul3A : i32
    %add3A = arith.addi %mul3A_0, %arg0 : i32
    %mul3A_1 = arith.constant 1024 : i32
    %mul3A_2 = arith.muli %add3A, %mul3A_1 : i32
    "tpu.region"() ({
      %run_scoped3A = tpu.sem_alloc : memref<!tpu.dma_semaphore, #tpu.memory_space<semaphore_mem>>
      %dma_start3A_321 = tpu.memref_slice %arg2[%mul3A_2] : memref<32768xi32, #tpu.memory_space<hbm>> -> memref<1024xi32, #tpu.memory_space<hbm>>
      %dma_start3A_322 = tpu.memref_slice %arg2[%mul3A_2] : memref<32768xi32, #tpu.memory_space<hbm>> -> memref<1024xi32, #tpu.memory_space<hbm>>
      tpu.enqueue_dma source(%dma_start3A_322 : memref<1024xi32, #tpu.memory_space<hbm>>) target(%arg5 : memref<1024xi32, #tpu.memory_space<vmem>>) target_semaphore(%run_scoped3A : memref<!tpu.dma_semaphore, #tpu.memory_space<semaphore_mem>>)
      %dma_wait3A_323 = tpu.memref_slice %arg2[%mul3A_2] : memref<32768xi32, #tpu.memory_space<hbm>> -> memref<1024xi32, #tpu.memory_space<hbm>>
      %dma_wait3A_324 = tpu.memref_slice %arg2[%mul3A_2] : memref<32768xi32, #tpu.memory_space<hbm>> -> memref<1024xi32, #tpu.memory_space<hbm>>
      tpu.wait_dma2 semaphore(%run_scoped3A : memref<!tpu.dma_semaphore, #tpu.memory_space<semaphore_mem>>) src(%dma_wait3A_324 : memref<1024xi32, #tpu.memory_space<hbm>>) dst(%arg5 : memref<1024xi32, #tpu.memory_space<vmem>>)
      tpu.yield
    }) : () -> ()
    %dma_start3A = arith.constant 0 : i32
    %dma_start3A_3 = tpu.memref_slice %arg5[%dma_start3A] : memref<1024xi32, #tpu.memory_space<vmem>> -> memref<64xi32, #tpu.memory_space<vmem>>
    %dma_start3A_4 = arith.constant 0 : i32
    %dma_start3A_5 = arith.constant 0 : i32
    %dma_start3A_6 = tpu.memref_slice %arg3[%dma_start3A_4, %dma_start3A_5] : memref<1000x1000xf32, #tpu.memory_space<hbm>> -> memref<1000x1000xf32, #tpu.memory_space<hbm>>
    tpu.enqueue_indirect_dma source(%dma_start3A_6 : memref<1000x1000xf32, #tpu.memory_space<hbm>>) target(%arg6 : memref<64x1000xf32, #tpu.memory_space<vmem>>) offsets(%dma_start3A_3 : memref<64xi32, #tpu.memory_space<vmem>>) semaphore(%arg8 : memref<!tpu.dma_semaphore, #tpu.memory_space<semaphore_mem>>)
    %dma_wait3A = arith.constant 0 : i32
    %dma_wait3A_7 = tpu.memref_slice %arg5[%dma_wait3A] : memref<1024xi32, #tpu.memory_space<vmem>> -> memref<64xi32, #tpu.memory_space<vmem>>
    %dma_wait3A_8 = arith.constant 0 : i32
    %dma_wait3A_9 = arith.constant 0 : i32
    %dma_wait3A_10 = tpu.memref_slice %arg3[%dma_wait3A_8, %dma_wait3A_9] : memref<1000x1000xf32, #tpu.memory_space<hbm>> -> memref<1000x1000xf32, #tpu.memory_space<hbm>>
    tpu.wait_indirect_dma semaphore(%arg8 : memref<!tpu.dma_semaphore, #tpu.memory_space<semaphore_mem>>) src(%dma_wait3A_10 : memref<1000x1000xf32, #tpu.memory_space<hbm>>) dst(%arg6 : memref<64x1000xf32, #tpu.memory_space<vmem>>)
    %add3A_11 = arith.constant 0 : i32
    %add3A_12 = arith.addi %mul3A_2, %add3A_11 : i32
    %dma_start3A_13 = arith.constant 0 : i32
    %dma_start3A_14 = tpu.memref_slice %arg4[%add3A_12, %dma_start3A_13] : memref<32768x1000xf32, #tpu.memory_space<hbm>> -> memref<64x1000xf32, #tpu.memory_space<hbm>>
    %dma_start3A_15 = arith.constant 0 : i32
    %dma_start3A_16 = tpu.memref_slice %arg4[%add3A_12, %dma_start3A_15] : memref<32768x1000xf32, #tpu.memory_space<hbm>> -> memref<64x1000xf32, #tpu.memory_space<hbm>>
    tpu.enqueue_dma source(%arg6 : memref<64x1000xf32, #tpu.memory_space<vmem>>) target(%dma_start3A_16 : memref<64x1000xf32, #tpu.memory_space<hbm>>) target_semaphore(%arg10 : memref<!tpu.dma_semaphore, #tpu.memory_space<semaphore_mem>>)
    %dma_start3A_17 = arith.constant 64 : i32
    %dma_start3A_18 = tpu.memref_slice %arg5[%dma_start3A_17] : memref<1024xi32, #tpu.memory_space<vmem>> -> memref<64xi32, #tpu.memory_space<vmem>>
    %dma_start3A_19 = arith.constant 0 : i32
    %dma_start3A_20 = arith.constant 0 : i32
    %dma_start3A_21 = tpu.memref_slice %arg3[%dma_start3A_19, %dma_start3A_20] : memref<1000x1000xf32, #tpu.memory_space<hbm>> -> memref<1000x1000xf32, #tpu.memory_space<hbm>>
    tpu.enqueue_indirect_dma source(%dma_start3A_21 : memref<1000x1000xf32, #tpu.memory_space<hbm>>) target(%arg7 : memref<64x1000xf32, #tpu.memory_space<vmem>>) offsets(%dma_start3A_18 : memref<64xi32, #tpu.memory_space<vmem>>) semaphore(%arg9 : memref<!tpu.dma_semaphore, #tpu.memory_space<semaphore_mem>>)
    %dma_wait3A_22 = arith.constant 64 : i32
    %dma_wait3A_23 = tpu.memref_slice %arg5[%dma_wait3A_22] : memref<1024xi32, #tpu.memory_space<vmem>> -> memref<64xi32, #tpu.memory_space<vmem>>
    %dma_wait3A_24 = arith.constant 0 : i32
    %dma_wait3A_25 = arith.constant 0 : i32
    %dma_wait3A_26 = tpu.memref_slice %arg3[%dma_wait3A_24, %dma_wait3A_25] : memref<1000x1000xf32, #tpu.memory_space<hbm>> -> memref<1000x1000xf32, #tpu.memory_space<hbm>>
    tpu.wait_indirect_dma semaphore(%arg9 : memref<!tpu.dma_semaphore, #tpu.memory_space<semaphore_mem>>) src(%dma_wait3A_26 : memref<1000x1000xf32, #tpu.memory_space<hbm>>) dst(%arg7 : memref<64x1000xf32, #tpu.memory_space<vmem>>)
    %add3A_27 = arith.constant 64 : i32
    %add3A_28 = arith.addi %mul3A_2, %add3A_27 : i32
    %dma_start3A_29 = arith.constant 0 : i32
    %dma_start3A_30 = tpu.memref_slice %arg4[%add3A_28, %dma_start3A_29] : memref<32768x1000xf32, #tpu.memory_space<hbm>> -> memref<64x1000xf32, #tpu.memory_space<hbm>>
    %dma_start3A_31 = arith.constant 0 : i32
    %dma_start3A_32 = tpu.memref_slice %arg4[%add3A_28, %dma_start3A_31] : memref<32768x1000xf32, #tpu.memory_space<hbm>> -> memref<64x1000xf32, #tpu.memory_space<hbm>>
    tpu.enqueue_dma source(%arg7 : memref<64x1000xf32, #tpu.memory_space<vmem>>) target(%dma_start3A_32 : memref<64x1000xf32, #tpu.memory_space<hbm>>) target_semaphore(%arg11 : memref<!tpu.dma_semaphore, #tpu.memory_space<semaphore_mem>>)
    %dma_wait3A_33 = arith.constant 0 : i32
    %dma_wait3A_34 = tpu.memref_slice %arg4[%add3A_12, %dma_wait3A_33] : memref<32768x1000xf32, #tpu.memory_space<hbm>> -> memref<64x1000xf32, #tpu.memory_space<hbm>>
    %dma_wait3A_35 = arith.constant 0 : i32
    %dma_wait3A_36 = tpu.memref_slice %arg4[%add3A_12, %dma_wait3A_35] : memref<32768x1000xf32, #tpu.memory_space<hbm>> -> memref<64x1000xf32, #tpu.memory_space<hbm>>
    tpu.wait_dma2 semaphore(%arg10 : memref<!tpu.dma_semaphore, #tpu.memory_space<semaphore_mem>>) src(%arg6 : memref<64x1000xf32, #tpu.memory_space<vmem>>) dst(%dma_wait3A_36 : memref<64x1000xf32, #tpu.memory_space<hbm>>)
    %dma_start3A_37 = arith.constant 128 : i32
    %dma_start3A_38 = tpu.memref_slice %arg5[%dma_start3A_37] : memref<1024xi32, #tpu.memory_space<vmem>> -> memref<64xi32, #tpu.memory_space<vmem>>
    %dma_start3A_39 = arith.constant 0 : i32
    %dma_start3A_40 = arith.constant 0 : i32
    %dma_start3A_41 = tpu.memref_slice %arg3[%dma_start3A_39, %dma_start3A_40] : memref<1000x1000xf32, #tpu.memory_space<hbm>> -> memref<1000x1000xf32, #tpu.memory_space<hbm>>
    tpu.enqueue_indirect_dma source(%dma_start3A_41 : memref<1000x1000xf32, #tpu.memory_space<hbm>>) target(%arg6 : memref<64x1000xf32, #tpu.memory_space<vmem>>) offsets(%dma_start3A_38 : memref<64xi32, #tpu.memory_space<vmem>>) semaphore(%arg8 : memref<!tpu.dma_semaphore, #tpu.memory_space<semaphore_mem>>)
    %dma_wait3A_42 = arith.constant 128 : i32
    %dma_wait3A_43 = tpu.memref_slice %arg5[%dma_wait3A_42] : memref<1024xi32, #tpu.memory_space<vmem>> -> memref<64xi32, #tpu.memory_space<vmem>>
    %dma_wait3A_44 = arith.constant 0 : i32
    %dma_wait3A_45 = arith.constant 0 : i32
    %dma_wait3A_46 = tpu.memref_slice %arg3[%dma_wait3A_44, %dma_wait3A_45] : memref<1000x1000xf32, #tpu.memory_space<hbm>> -> memref<1000x1000xf32, #tpu.memory_space<hbm>>
    tpu.wait_indirect_dma semaphore(%arg8 : memref<!tpu.dma_semaphore, #tpu.memory_space<semaphore_mem>>) src(%dma_wait3A_46 : memref<1000x1000xf32, #tpu.memory_space<hbm>>) dst(%arg6 : memref<64x1000xf32, #tpu.memory_space<vmem>>)
    %add3A_47 = arith.constant 128 : i32
    %add3A_48 = arith.addi %mul3A_2, %add3A_47 : i32
    %dma_start3A_49 = arith.constant 0 : i32
    %dma_start3A_50 = tpu.memref_slice %arg4[%add3A_48, %dma_start3A_49] : memref<32768x1000xf32, #tpu.memory_space<hbm>> -> memref<64x1000xf32, #tpu.memory_space<hbm>>
    %dma_start3A_51 = arith.constant 0 : i32
    %dma_start3A_52 = tpu.memref_slice %arg4[%add3A_48, %dma_start3A_51] : memref<32768x1000xf32, #tpu.memory_space<hbm>> -> memref<64x1000xf32, #tpu.memory_space<hbm>>
    tpu.enqueue_dma source(%arg6 : memref<64x1000xf32, #tpu.memory_space<vmem>>) target(%dma_start3A_52 : memref<64x1000xf32, #tpu.memory_space<hbm>>) target_semaphore(%arg10 : memref<!tpu.dma_semaphore, #tpu.memory_space<semaphore_mem>>)
    %dma_wait3A_53 = arith.constant 0 : i32
    %dma_wait3A_54 = tpu.memref_slice %arg4[%add3A_28, %dma_wait3A_53] : memref<32768x1000xf32, #tpu.memory_space<hbm>> -> memref<64x1000xf32, #tpu.memory_space<hbm>>
    %dma_wait3A_55 = arith.constant 0 : i32
    %dma_wait3A_56 = tpu.memref_slice %arg4[%add3A_28, %dma_wait3A_55] : memref<32768x1000xf32, #tpu.memory_space<hbm>> -> memref<64x1000xf32, #tpu.memory_space<hbm>>
    tpu.wait_dma2 semaphore(%arg11 : memref<!tpu.dma_semaphore, #tpu.memory_space<semaphore_mem>>) src(%arg7 : memref<64x1000xf32, #tpu.memory_space<vmem>>) dst(%dma_wait3A_56 : memref<64x1000xf32, #tpu.memory_space<hbm>>)
    %dma_start3A_57 = arith.constant 192 : i32
    %dma_start3A_58 = tpu.memref_slice %arg5[%dma_start3A_57] : memref<1024xi32, #tpu.memory_space<vmem>> -> memref<64xi32, #tpu.memory_space<vmem>>
    %dma_start3A_59 = arith.constant 0 : i32
    %dma_start3A_60 = arith.constant 0 : i32
    %dma_start3A_61 = tpu.memref_slice %arg3[%dma_start3A_59, %dma_start3A_60] : memref<1000x1000xf32, #tpu.memory_space<hbm>> -> memref<1000x1000xf32, #tpu.memory_space<hbm>>
    tpu.enqueue_indirect_dma source(%dma_start3A_61 : memref<1000x1000xf32, #tpu.memory_space<hbm>>) target(%arg7 : memref<64x1000xf32, #tpu.memory_space<vmem>>) offsets(%dma_start3A_58 : memref<64xi32, #tpu.memory_space<vmem>>) semaphore(%arg9 : memref<!tpu.dma_semaphore, #tpu.memory_space<semaphore_mem>>)
    %dma_wait3A_62 = arith.constant 192 : i32
    %dma_wait3A_63 = tpu.memref_slice %arg5[%dma_wait3A_62] : memref<1024xi32, #tpu.memory_space<vmem>> -> memref<64xi32, #tpu.memory_space<vmem>>
    %dma_wait3A_64 = arith.constant 0 : i32
    %dma_wait3A_65 = arith.constant 0 : i32
    %dma_wait3A_66 = tpu.memref_slice %arg3[%dma_wait3A_64, %dma_wait3A_65] : memref<1000x1000xf32, #tpu.memory_space<hbm>> -> memref<1000x1000xf32, #tpu.memory_space<hbm>>
    tpu.wait_indirect_dma semaphore(%arg9 : memref<!tpu.dma_semaphore, #tpu.memory_space<semaphore_mem>>) src(%dma_wait3A_66 : memref<1000x1000xf32, #tpu.memory_space<hbm>>) dst(%arg7 : memref<64x1000xf32, #tpu.memory_space<vmem>>)
    %add3A_67 = arith.constant 192 : i32
    %add3A_68 = arith.addi %mul3A_2, %add3A_67 : i32
    %dma_start3A_69 = arith.constant 0 : i32
    %dma_start3A_70 = tpu.memref_slice %arg4[%add3A_68, %dma_start3A_69] : memref<32768x1000xf32, #tpu.memory_space<hbm>> -> memref<64x1000xf32, #tpu.memory_space<hbm>>
    %dma_start3A_71 = arith.constant 0 : i32
    %dma_start3A_72 = tpu.memref_slice %arg4[%add3A_68, %dma_start3A_71] : memref<32768x1000xf32, #tpu.memory_space<hbm>> -> memref<64x1000xf32, #tpu.memory_space<hbm>>
    tpu.enqueue_dma source(%arg7 : memref<64x1000xf32, #tpu.memory_space<vmem>>) target(%dma_start3A_72 : memref<64x1000xf32, #tpu.memory_space<hbm>>) target_semaphore(%arg11 : memref<!tpu.dma_semaphore, #tpu.memory_space<semaphore_mem>>)
    %dma_wait3A_73 = arith.constant 0 : i32
    %dma_wait3A_74 = tpu.memref_slice %arg4[%add3A_48, %dma_wait3A_73] : memref<32768x1000xf32, #tpu.memory_space<hbm>> -> memref<64x1000xf32, #tpu.memory_space<hbm>>
    %dma_wait3A_75 = arith.constant 0 : i32
    %dma_wait3A_76 = tpu.memref_slice %arg4[%add3A_48, %dma_wait3A_75] : memref<32768x1000xf32, #tpu.memory_space<hbm>> -> memref<64x1000xf32, #tpu.memory_space<hbm>>
    tpu.wait_dma2 semaphore(%arg10 : memref<!tpu.dma_semaphore, #tpu.memory_space<semaphore_mem>>) src(%arg6 : memref<64x1000xf32, #tpu.memory_space<vmem>>) dst(%dma_wait3A_76 : memref<64x1000xf32, #tpu.memory_space<hbm>>)
    %dma_start3A_77 = arith.constant 256 : i32
    %dma_start3A_78 = tpu.memref_slice %arg5[%dma_start3A_77] : memref<1024xi32, #tpu.memory_space<vmem>> -> memref<64xi32, #tpu.memory_space<vmem>>
    %dma_start3A_79 = arith.constant 0 : i32
    %dma_start3A_80 = arith.constant 0 : i32
    %dma_start3A_81 = tpu.memref_slice %arg3[%dma_start3A_79, %dma_start3A_80] : memref<1000x1000xf32, #tpu.memory_space<hbm>> -> memref<1000x1000xf32, #tpu.memory_space<hbm>>
    tpu.enqueue_indirect_dma source(%dma_start3A_81 : memref<1000x1000xf32, #tpu.memory_space<hbm>>) target(%arg6 : memref<64x1000xf32, #tpu.memory_space<vmem>>) offsets(%dma_start3A_78 : memref<64xi32, #tpu.memory_space<vmem>>) semaphore(%arg8 : memref<!tpu.dma_semaphore, #tpu.memory_space<semaphore_mem>>)
    %dma_wait3A_82 = arith.constant 256 : i32
    %dma_wait3A_83 = tpu.memref_slice %arg5[%dma_wait3A_82] : memref<1024xi32, #tpu.memory_space<vmem>> -> memref<64xi32, #tpu.memory_space<vmem>>
    %dma_wait3A_84 = arith.constant 0 : i32
    %dma_wait3A_85 = arith.constant 0 : i32
    %dma_wait3A_86 = tpu.memref_slice %arg3[%dma_wait3A_84, %dma_wait3A_85] : memref<1000x1000xf32, #tpu.memory_space<hbm>> -> memref<1000x1000xf32, #tpu.memory_space<hbm>>
    tpu.wait_indirect_dma semaphore(%arg8 : memref<!tpu.dma_semaphore, #tpu.memory_space<semaphore_mem>>) src(%dma_wait3A_86 : memref<1000x1000xf32, #tpu.memory_space<hbm>>) dst(%arg6 : memref<64x1000xf32, #tpu.memory_space<vmem>>)
    %add3A_87 = arith.constant 256 : i32
    %add3A_88 = arith.addi %mul3A_2, %add3A_87 : i32
    %dma_start3A_89 = arith.constant 0 : i32
    %dma_start3A_90 = tpu.memref_slice %arg4[%add3A_88, %dma_start3A_89] : memref<32768x1000xf32, #tpu.memory_space<hbm>> -> memref<64x1000xf32, #tpu.memory_space<hbm>>
    %dma_start3A_91 = arith.constant 0 : i32
    %dma_start3A_92 = tpu.memref_slice %arg4[%add3A_88, %dma_start3A_91] : memref<32768x1000xf32, #tpu.memory_space<hbm>> -> memref<64x1000xf32, #tpu.memory_space<hbm>>
    tpu.enqueue_dma source(%arg6 : memref<64x1000xf32, #tpu.memory_space<vmem>>) target(%dma_start3A_92 : memref<64x1000xf32, #tpu.memory_space<hbm>>) target_semaphore(%arg10 : memref<!tpu.dma_semaphore, #tpu.memory_space<semaphore_mem>>)
    %dma_wait3A_93 = arith.constant 0 : i32
    %dma_wait3A_94 = tpu.memref_slice %arg4[%add3A_68, %dma_wait3A_93] : memref<32768x1000xf32, #tpu.memory_space<hbm>> -> memref<64x1000xf32, #tpu.memory_space<hbm>>
    %dma_wait3A_95 = arith.constant 0 : i32
    %dma_wait3A_96 = tpu.memref_slice %arg4[%add3A_68, %dma_wait3A_95] : memref<32768x1000xf32, #tpu.memory_space<hbm>> -> memref<64x1000xf32, #tpu.memory_space<hbm>>
    tpu.wait_dma2 semaphore(%arg11 : memref<!tpu.dma_semaphore, #tpu.memory_space<semaphore_mem>>) src(%arg7 : memref<64x1000xf32, #tpu.memory_space<vmem>>) dst(%dma_wait3A_96 : memref<64x1000xf32, #tpu.memory_space<hbm>>)
    %dma_start3A_97 = arith.constant 320 : i32
    %dma_start3A_98 = tpu.memref_slice %arg5[%dma_start3A_97] : memref<1024xi32, #tpu.memory_space<vmem>> -> memref<64xi32, #tpu.memory_space<vmem>>
    %dma_start3A_99 = arith.constant 0 : i32
    %dma_start3A_100 = arith.constant 0 : i32
    %dma_start3A_101 = tpu.memref_slice %arg3[%dma_start3A_99, %dma_start3A_100] : memref<1000x1000xf32, #tpu.memory_space<hbm>> -> memref<1000x1000xf32, #tpu.memory_space<hbm>>
    tpu.enqueue_indirect_dma source(%dma_start3A_101 : memref<1000x1000xf32, #tpu.memory_space<hbm>>) target(%arg7 : memref<64x1000xf32, #tpu.memory_space<vmem>>) offsets(%dma_start3A_98 : memref<64xi32, #tpu.memory_space<vmem>>) semaphore(%arg9 : memref<!tpu.dma_semaphore, #tpu.memory_space<semaphore_mem>>)
    %dma_wait3A_102 = arith.constant 320 : i32
    %dma_wait3A_103 = tpu.memref_slice %arg5[%dma_wait3A_102] : memref<1024xi32, #tpu.memory_space<vmem>> -> memref<64xi32, #tpu.memory_space<vmem>>
    %dma_wait3A_104 = arith.constant 0 : i32
    %dma_wait3A_105 = arith.constant 0 : i32
    %dma_wait3A_106 = tpu.memref_slice %arg3[%dma_wait3A_104, %dma_wait3A_105] : memref<1000x1000xf32, #tpu.memory_space<hbm>> -> memref<1000x1000xf32, #tpu.memory_space<hbm>>
    tpu.wait_indirect_dma semaphore(%arg9 : memref<!tpu.dma_semaphore, #tpu.memory_space<semaphore_mem>>) src(%dma_wait3A_106 : memref<1000x1000xf32, #tpu.memory_space<hbm>>) dst(%arg7 : memref<64x1000xf32, #tpu.memory_space<vmem>>)
    %add3A_107 = arith.constant 320 : i32
    %add3A_108 = arith.addi %mul3A_2, %add3A_107 : i32
    %dma_start3A_109 = arith.constant 0 : i32
    %dma_start3A_110 = tpu.memref_slice %arg4[%add3A_108, %dma_start3A_109] : memref<32768x1000xf32, #tpu.memory_space<hbm>> -> memref<64x1000xf32, #tpu.memory_space<hbm>>
    %dma_start3A_111 = arith.constant 0 : i32
    %dma_start3A_112 = tpu.memref_slice %arg4[%add3A_108, %dma_start3A_111] : memref<32768x1000xf32, #tpu.memory_space<hbm>> -> memref<64x1000xf32, #tpu.memory_space<hbm>>
    tpu.enqueue_dma source(%arg7 : memref<64x1000xf32, #tpu.memory_space<vmem>>) target(%dma_start3A_112 : memref<64x1000xf32, #tpu.memory_space<hbm>>) target_semaphore(%arg11 : memref<!tpu.dma_semaphore, #tpu.memory_space<semaphore_mem>>)
    %dma_wait3A_113 = arith.constant 0 : i32
    %dma_wait3A_114 = tpu.memref_slice %arg4[%add3A_88, %dma_wait3A_113] : memref<32768x1000xf32, #tpu.memory_space<hbm>> -> memref<64x1000xf32, #tpu.memory_space<hbm>>
    %dma_wait3A_115 = arith.constant 0 : i32
    %dma_wait3A_116 = tpu.memref_slice %arg4[%add3A_88, %dma_wait3A_115] : memref<32768x1000xf32, #tpu.memory_space<hbm>> -> memref<64x1000xf32, #tpu.memory_space<hbm>>
    tpu.wait_dma2 semaphore(%arg10 : memref<!tpu.dma_semaphore, #tpu.memory_space<semaphore_mem>>) src(%arg6 : memref<64x1000xf32, #tpu.memory_space<vmem>>) dst(%dma_wait3A_116 : memref<64x1000xf32, #tpu.memory_space<hbm>>)
    %dma_start3A_117 = arith.constant 384 : i32
    %dma_start3A_118 = tpu.memref_slice %arg5[%dma_start3A_117] : memref<1024xi32, #tpu.memory_space<vmem>> -> memref<64xi32, #tpu.memory_space<vmem>>
    %dma_start3A_119 = arith.constant 0 : i32
    %dma_start3A_120 = arith.constant 0 : i32
    %dma_start3A_121 = tpu.memref_slice %arg3[%dma_start3A_119, %dma_start3A_120] : memref<1000x1000xf32, #tpu.memory_space<hbm>> -> memref<1000x1000xf32, #tpu.memory_space<hbm>>
    tpu.enqueue_indirect_dma source(%dma_start3A_121 : memref<1000x1000xf32, #tpu.memory_space<hbm>>) target(%arg6 : memref<64x1000xf32, #tpu.memory_space<vmem>>) offsets(%dma_start3A_118 : memref<64xi32, #tpu.memory_space<vmem>>) semaphore(%arg8 : memref<!tpu.dma_semaphore, #tpu.memory_space<semaphore_mem>>)
    %dma_wait3A_122 = arith.constant 384 : i32
    %dma_wait3A_123 = tpu.memref_slice %arg5[%dma_wait3A_122] : memref<1024xi32, #tpu.memory_space<vmem>> -> memref<64xi32, #tpu.memory_space<vmem>>
    %dma_wait3A_124 = arith.constant 0 : i32
    %dma_wait3A_125 = arith.constant 0 : i32
    %dma_wait3A_126 = tpu.memref_slice %arg3[%dma_wait3A_124, %dma_wait3A_125] : memref<1000x1000xf32, #tpu.memory_space<hbm>> -> memref<1000x1000xf32, #tpu.memory_space<hbm>>
    tpu.wait_indirect_dma semaphore(%arg8 : memref<!tpu.dma_semaphore, #tpu.memory_space<semaphore_mem>>) src(%dma_wait3A_126 : memref<1000x1000xf32, #tpu.memory_space<hbm>>) dst(%arg6 : memref<64x1000xf32, #tpu.memory_space<vmem>>)
    %add3A_127 = arith.constant 384 : i32
    %add3A_128 = arith.addi %mul3A_2, %add3A_127 : i32
    %dma_start3A_129 = arith.constant 0 : i32
    %dma_start3A_130 = tpu.memref_slice %arg4[%add3A_128, %dma_start3A_129] : memref<32768x1000xf32, #tpu.memory_space<hbm>> -> memref<64x1000xf32, #tpu.memory_space<hbm>>
    %dma_start3A_131 = arith.constant 0 : i32
    %dma_start3A_132 = tpu.memref_slice %arg4[%add3A_128, %dma_start3A_131] : memref<32768x1000xf32, #tpu.memory_space<hbm>> -> memref<64x1000xf32, #tpu.memory_space<hbm>>
    tpu.enqueue_dma source(%arg6 : memref<64x1000xf32, #tpu.memory_space<vmem>>) target(%dma_start3A_132 : memref<64x1000xf32, #tpu.memory_space<hbm>>) target_semaphore(%arg10 : memref<!tpu.dma_semaphore, #tpu.memory_space<semaphore_mem>>)
    %dma_wait3A_133 = arith.constant 0 : i32
    %dma_wait3A_134 = tpu.memref_slice %arg4[%add3A_108, %dma_wait3A_133] : memref<32768x1000xf32, #tpu.memory_space<hbm>> -> memref<64x1000xf32, #tpu.memory_space<hbm>>
    %dma_wait3A_135 = arith.constant 0 : i32
    %dma_wait3A_136 = tpu.memref_slice %arg4[%add3A_108, %dma_wait3A_135] : memref<32768x1000xf32, #tpu.memory_space<hbm>> -> memref<64x1000xf32, #tpu.memory_space<hbm>>
    tpu.wait_dma2 semaphore(%arg11 : memref<!tpu.dma_semaphore, #tpu.memory_space<semaphore_mem>>) src(%arg7 : memref<64x1000xf32, #tpu.memory_space<vmem>>) dst(%dma_wait3A_136 : memref<64x1000xf32, #tpu.memory_space<hbm>>)
    %dma_start3A_137 = arith.constant 448 : i32
    %dma_start3A_138 = tpu.memref_slice %arg5[%dma_start3A_137] : memref<1024xi32, #tpu.memory_space<vmem>> -> memref<64xi32, #tpu.memory_space<vmem>>
    %dma_start3A_139 = arith.constant 0 : i32
    %dma_start3A_140 = arith.constant 0 : i32
    %dma_start3A_141 = tpu.memref_slice %arg3[%dma_start3A_139, %dma_start3A_140] : memref<1000x1000xf32, #tpu.memory_space<hbm>> -> memref<1000x1000xf32, #tpu.memory_space<hbm>>
    tpu.enqueue_indirect_dma source(%dma_start3A_141 : memref<1000x1000xf32, #tpu.memory_space<hbm>>) target(%arg7 : memref<64x1000xf32, #tpu.memory_space<vmem>>) offsets(%dma_start3A_138 : memref<64xi32, #tpu.memory_space<vmem>>) semaphore(%arg9 : memref<!tpu.dma_semaphore, #tpu.memory_space<semaphore_mem>>)
    %dma_wait3A_142 = arith.constant 448 : i32
    %dma_wait3A_143 = tpu.memref_slice %arg5[%dma_wait3A_142] : memref<1024xi32, #tpu.memory_space<vmem>> -> memref<64xi32, #tpu.memory_space<vmem>>
    %dma_wait3A_144 = arith.constant 0 : i32
    %dma_wait3A_145 = arith.constant 0 : i32
    %dma_wait3A_146 = tpu.memref_slice %arg3[%dma_wait3A_144, %dma_wait3A_145] : memref<1000x1000xf32, #tpu.memory_space<hbm>> -> memref<1000x1000xf32, #tpu.memory_space<hbm>>
    tpu.wait_indirect_dma semaphore(%arg9 : memref<!tpu.dma_semaphore, #tpu.memory_space<semaphore_mem>>) src(%dma_wait3A_146 : memref<1000x1000xf32, #tpu.memory_space<hbm>>) dst(%arg7 : memref<64x1000xf32, #tpu.memory_space<vmem>>)
    %add3A_147 = arith.constant 448 : i32
    %add3A_148 = arith.addi %mul3A_2, %add3A_147 : i32
    %dma_start3A_149 = arith.constant 0 : i32
    %dma_start3A_150 = tpu.memref_slice %arg4[%add3A_148, %dma_start3A_149] : memref<32768x1000xf32, #tpu.memory_space<hbm>> -> memref<64x1000xf32, #tpu.memory_space<hbm>>
    %dma_start3A_151 = arith.constant 0 : i32
    %dma_start3A_152 = tpu.memref_slice %arg4[%add3A_148, %dma_start3A_151] : memref<32768x1000xf32, #tpu.memory_space<hbm>> -> memref<64x1000xf32, #tpu.memory_space<hbm>>
    tpu.enqueue_dma source(%arg7 : memref<64x1000xf32, #tpu.memory_space<vmem>>) target(%dma_start3A_152 : memref<64x1000xf32, #tpu.memory_space<hbm>>) target_semaphore(%arg11 : memref<!tpu.dma_semaphore, #tpu.memory_space<semaphore_mem>>)
    %dma_wait3A_153 = arith.constant 0 : i32
    %dma_wait3A_154 = tpu.memref_slice %arg4[%add3A_128, %dma_wait3A_153] : memref<32768x1000xf32, #tpu.memory_space<hbm>> -> memref<64x1000xf32, #tpu.memory_space<hbm>>
    %dma_wait3A_155 = arith.constant 0 : i32
    %dma_wait3A_156 = tpu.memref_slice %arg4[%add3A_128, %dma_wait3A_155] : memref<32768x1000xf32, #tpu.memory_space<hbm>> -> memref<64x1000xf32, #tpu.memory_space<hbm>>
    tpu.wait_dma2 semaphore(%arg10 : memref<!tpu.dma_semaphore, #tpu.memory_space<semaphore_mem>>) src(%arg6 : memref<64x1000xf32, #tpu.memory_space<vmem>>) dst(%dma_wait3A_156 : memref<64x1000xf32, #tpu.memory_space<hbm>>)
    %dma_start3A_157 = arith.constant 512 : i32
    %dma_start3A_158 = tpu.memref_slice %arg5[%dma_start3A_157] : memref<1024xi32, #tpu.memory_space<vmem>> -> memref<64xi32, #tpu.memory_space<vmem>>
    %dma_start3A_159 = arith.constant 0 : i32
    %dma_start3A_160 = arith.constant 0 : i32
    %dma_start3A_161 = tpu.memref_slice %arg3[%dma_start3A_159, %dma_start3A_160] : memref<1000x1000xf32, #tpu.memory_space<hbm>> -> memref<1000x1000xf32, #tpu.memory_space<hbm>>
    tpu.enqueue_indirect_dma source(%dma_start3A_161 : memref<1000x1000xf32, #tpu.memory_space<hbm>>) target(%arg6 : memref<64x1000xf32, #tpu.memory_space<vmem>>) offsets(%dma_start3A_158 : memref<64xi32, #tpu.memory_space<vmem>>) semaphore(%arg8 : memref<!tpu.dma_semaphore, #tpu.memory_space<semaphore_mem>>)
    %dma_wait3A_162 = arith.constant 512 : i32
    %dma_wait3A_163 = tpu.memref_slice %arg5[%dma_wait3A_162] : memref<1024xi32, #tpu.memory_space<vmem>> -> memref<64xi32, #tpu.memory_space<vmem>>
    %dma_wait3A_164 = arith.constant 0 : i32
    %dma_wait3A_165 = arith.constant 0 : i32
    %dma_wait3A_166 = tpu.memref_slice %arg3[%dma_wait3A_164, %dma_wait3A_165] : memref<1000x1000xf32, #tpu.memory_space<hbm>> -> memref<1000x1000xf32, #tpu.memory_space<hbm>>
    tpu.wait_indirect_dma semaphore(%arg8 : memref<!tpu.dma_semaphore, #tpu.memory_space<semaphore_mem>>) src(%dma_wait3A_166 : memref<1000x1000xf32, #tpu.memory_space<hbm>>) dst(%arg6 : memref<64x1000xf32, #tpu.memory_space<vmem>>)
    %add3A_167 = arith.constant 512 : i32
    %add3A_168 = arith.addi %mul3A_2, %add3A_167 : i32
    %dma_start3A_169 = arith.constant 0 : i32
    %dma_start3A_170 = tpu.memref_slice %arg4[%add3A_168, %dma_start3A_169] : memref<32768x1000xf32, #tpu.memory_space<hbm>> -> memref<64x1000xf32, #tpu.memory_space<hbm>>
    %dma_start3A_171 = arith.constant 0 : i32
    %dma_start3A_172 = tpu.memref_slice %arg4[%add3A_168, %dma_start3A_171] : memref<32768x1000xf32, #tpu.memory_space<hbm>> -> memref<64x1000xf32, #tpu.memory_space<hbm>>
    tpu.enqueue_dma source(%arg6 : memref<64x1000xf32, #tpu.memory_space<vmem>>) target(%dma_start3A_172 : memref<64x1000xf32, #tpu.memory_space<hbm>>) target_semaphore(%arg10 : memref<!tpu.dma_semaphore, #tpu.memory_space<semaphore_mem>>)
    %dma_wait3A_173 = arith.constant 0 : i32
    %dma_wait3A_174 = tpu.memref_slice %arg4[%add3A_148, %dma_wait3A_173] : memref<32768x1000xf32, #tpu.memory_space<hbm>> -> memref<64x1000xf32, #tpu.memory_space<hbm>>
    %dma_wait3A_175 = arith.constant 0 : i32
    %dma_wait3A_176 = tpu.memref_slice %arg4[%add3A_148, %dma_wait3A_175] : memref<32768x1000xf32, #tpu.memory_space<hbm>> -> memref<64x1000xf32, #tpu.memory_space<hbm>>
    tpu.wait_dma2 semaphore(%arg11 : memref<!tpu.dma_semaphore, #tpu.memory_space<semaphore_mem>>) src(%arg7 : memref<64x1000xf32, #tpu.memory_space<vmem>>) dst(%dma_wait3A_176 : memref<64x1000xf32, #tpu.memory_space<hbm>>)
    %dma_start3A_177 = arith.constant 576 : i32
    %dma_start3A_178 = tpu.memref_slice %arg5[%dma_start3A_177] : memref<1024xi32, #tpu.memory_space<vmem>> -> memref<64xi32, #tpu.memory_space<vmem>>
    %dma_start3A_179 = arith.constant 0 : i32
    %dma_start3A_180 = arith.constant 0 : i32
    %dma_start3A_181 = tpu.memref_slice %arg3[%dma_start3A_179, %dma_start3A_180] : memref<1000x1000xf32, #tpu.memory_space<hbm>> -> memref<1000x1000xf32, #tpu.memory_space<hbm>>
    tpu.enqueue_indirect_dma source(%dma_start3A_181 : memref<1000x1000xf32, #tpu.memory_space<hbm>>) target(%arg7 : memref<64x1000xf32, #tpu.memory_space<vmem>>) offsets(%dma_start3A_178 : memref<64xi32, #tpu.memory_space<vmem>>) semaphore(%arg9 : memref<!tpu.dma_semaphore, #tpu.memory_space<semaphore_mem>>)
    %dma_wait3A_182 = arith.constant 576 : i32
    %dma_wait3A_183 = tpu.memref_slice %arg5[%dma_wait3A_182] : memref<1024xi32, #tpu.memory_space<vmem>> -> memref<64xi32, #tpu.memory_space<vmem>>
    %dma_wait3A_184 = arith.constant 0 : i32
    %dma_wait3A_185 = arith.constant 0 : i32
    %dma_wait3A_186 = tpu.memref_slice %arg3[%dma_wait3A_184, %dma_wait3A_185] : memref<1000x1000xf32, #tpu.memory_space<hbm>> -> memref<1000x1000xf32, #tpu.memory_space<hbm>>
    tpu.wait_indirect_dma semaphore(%arg9 : memref<!tpu.dma_semaphore, #tpu.memory_space<semaphore_mem>>) src(%dma_wait3A_186 : memref<1000x1000xf32, #tpu.memory_space<hbm>>) dst(%arg7 : memref<64x1000xf32, #tpu.memory_space<vmem>>)
    %add3A_187 = arith.constant 576 : i32
    %add3A_188 = arith.addi %mul3A_2, %add3A_187 : i32
    %dma_start3A_189 = arith.constant 0 : i32
    %dma_start3A_190 = tpu.memref_slice %arg4[%add3A_188, %dma_start3A_189] : memref<32768x1000xf32, #tpu.memory_space<hbm>> -> memref<64x1000xf32, #tpu.memory_space<hbm>>
    %dma_start3A_191 = arith.constant 0 : i32
    %dma_start3A_192 = tpu.memref_slice %arg4[%add3A_188, %dma_start3A_191] : memref<32768x1000xf32, #tpu.memory_space<hbm>> -> memref<64x1000xf32, #tpu.memory_space<hbm>>
    tpu.enqueue_dma source(%arg7 : memref<64x1000xf32, #tpu.memory_space<vmem>>) target(%dma_start3A_192 : memref<64x1000xf32, #tpu.memory_space<hbm>>) target_semaphore(%arg11 : memref<!tpu.dma_semaphore, #tpu.memory_space<semaphore_mem>>)
    %dma_wait3A_193 = arith.constant 0 : i32
    %dma_wait3A_194 = tpu.memref_slice %arg4[%add3A_168, %dma_wait3A_193] : memref<32768x1000xf32, #tpu.memory_space<hbm>> -> memref<64x1000xf32, #tpu.memory_space<hbm>>
    %dma_wait3A_195 = arith.constant 0 : i32
    %dma_wait3A_196 = tpu.memref_slice %arg4[%add3A_168, %dma_wait3A_195] : memref<32768x1000xf32, #tpu.memory_space<hbm>> -> memref<64x1000xf32, #tpu.memory_space<hbm>>
    tpu.wait_dma2 semaphore(%arg10 : memref<!tpu.dma_semaphore, #tpu.memory_space<semaphore_mem>>) src(%arg6 : memref<64x1000xf32, #tpu.memory_space<vmem>>) dst(%dma_wait3A_196 : memref<64x1000xf32, #tpu.memory_space<hbm>>)
    %dma_start3A_197 = arith.constant 640 : i32
    %dma_start3A_198 = tpu.memref_slice %arg5[%dma_start3A_197] : memref<1024xi32, #tpu.memory_space<vmem>> -> memref<64xi32, #tpu.memory_space<vmem>>
    %dma_start3A_199 = arith.constant 0 : i32
    %dma_start3A_200 = arith.constant 0 : i32
    %dma_start3A_201 = tpu.memref_slice %arg3[%dma_start3A_199, %dma_start3A_200] : memref<1000x1000xf32, #tpu.memory_space<hbm>> -> memref<1000x1000xf32, #tpu.memory_space<hbm>>
    tpu.enqueue_indirect_dma source(%dma_start3A_201 : memref<1000x1000xf32, #tpu.memory_space<hbm>>) target(%arg6 : memref<64x1000xf32, #tpu.memory_space<vmem>>) offsets(%dma_start3A_198 : memref<64xi32, #tpu.memory_space<vmem>>) semaphore(%arg8 : memref<!tpu.dma_semaphore, #tpu.memory_space<semaphore_mem>>)
    %dma_wait3A_202 = arith.constant 640 : i32
    %dma_wait3A_203 = tpu.memref_slice %arg5[%dma_wait3A_202] : memref<1024xi32, #tpu.memory_space<vmem>> -> memref<64xi32, #tpu.memory_space<vmem>>
    %dma_wait3A_204 = arith.constant 0 : i32
    %dma_wait3A_205 = arith.constant 0 : i32
    %dma_wait3A_206 = tpu.memref_slice %arg3[%dma_wait3A_204, %dma_wait3A_205] : memref<1000x1000xf32, #tpu.memory_space<hbm>> -> memref<1000x1000xf32, #tpu.memory_space<hbm>>
    tpu.wait_indirect_dma semaphore(%arg8 : memref<!tpu.dma_semaphore, #tpu.memory_space<semaphore_mem>>) src(%dma_wait3A_206 : memref<1000x1000xf32, #tpu.memory_space<hbm>>) dst(%arg6 : memref<64x1000xf32, #tpu.memory_space<vmem>>)
    %add3A_207 = arith.constant 640 : i32
    %add3A_208 = arith.addi %mul3A_2, %add3A_207 : i32
    %dma_start3A_209 = arith.constant 0 : i32
    %dma_start3A_210 = tpu.memref_slice %arg4[%add3A_208, %dma_start3A_209] : memref<32768x1000xf32, #tpu.memory_space<hbm>> -> memref<64x1000xf32, #tpu.memory_space<hbm>>
    %dma_start3A_211 = arith.constant 0 : i32
    %dma_start3A_212 = tpu.memref_slice %arg4[%add3A_208, %dma_start3A_211] : memref<32768x1000xf32, #tpu.memory_space<hbm>> -> memref<64x1000xf32, #tpu.memory_space<hbm>>
    tpu.enqueue_dma source(%arg6 : memref<64x1000xf32, #tpu.memory_space<vmem>>) target(%dma_start3A_212 : memref<64x1000xf32, #tpu.memory_space<hbm>>) target_semaphore(%arg10 : memref<!tpu.dma_semaphore, #tpu.memory_space<semaphore_mem>>)
    %dma_wait3A_213 = arith.constant 0 : i32
    %dma_wait3A_214 = tpu.memref_slice %arg4[%add3A_188, %dma_wait3A_213] : memref<32768x1000xf32, #tpu.memory_space<hbm>> -> memref<64x1000xf32, #tpu.memory_space<hbm>>
    %dma_wait3A_215 = arith.constant 0 : i32
    %dma_wait3A_216 = tpu.memref_slice %arg4[%add3A_188, %dma_wait3A_215] : memref<32768x1000xf32, #tpu.memory_space<hbm>> -> memref<64x1000xf32, #tpu.memory_space<hbm>>
    tpu.wait_dma2 semaphore(%arg11 : memref<!tpu.dma_semaphore, #tpu.memory_space<semaphore_mem>>) src(%arg7 : memref<64x1000xf32, #tpu.memory_space<vmem>>) dst(%dma_wait3A_216 : memref<64x1000xf32, #tpu.memory_space<hbm>>)
    %dma_start3A_217 = arith.constant 704 : i32
    %dma_start3A_218 = tpu.memref_slice %arg5[%dma_start3A_217] : memref<1024xi32, #tpu.memory_space<vmem>> -> memref<64xi32, #tpu.memory_space<vmem>>
    %dma_start3A_219 = arith.constant 0 : i32
    %dma_start3A_220 = arith.constant 0 : i32
    %dma_start3A_221 = tpu.memref_slice %arg3[%dma_start3A_219, %dma_start3A_220] : memref<1000x1000xf32, #tpu.memory_space<hbm>> -> memref<1000x1000xf32, #tpu.memory_space<hbm>>
    tpu.enqueue_indirect_dma source(%dma_start3A_221 : memref<1000x1000xf32, #tpu.memory_space<hbm>>) target(%arg7 : memref<64x1000xf32, #tpu.memory_space<vmem>>) offsets(%dma_start3A_218 : memref<64xi32, #tpu.memory_space<vmem>>) semaphore(%arg9 : memref<!tpu.dma_semaphore, #tpu.memory_space<semaphore_mem>>)
    %dma_wait3A_222 = arith.constant 704 : i32
    %dma_wait3A_223 = tpu.memref_slice %arg5[%dma_wait3A_222] : memref<1024xi32, #tpu.memory_space<vmem>> -> memref<64xi32, #tpu.memory_space<vmem>>
    %dma_wait3A_224 = arith.constant 0 : i32
    %dma_wait3A_225 = arith.constant 0 : i32
    %dma_wait3A_226 = tpu.memref_slice %arg3[%dma_wait3A_224, %dma_wait3A_225] : memref<1000x1000xf32, #tpu.memory_space<hbm>> -> memref<1000x1000xf32, #tpu.memory_space<hbm>>
    tpu.wait_indirect_dma semaphore(%arg9 : memref<!tpu.dma_semaphore, #tpu.memory_space<semaphore_mem>>) src(%dma_wait3A_226 : memref<1000x1000xf32, #tpu.memory_space<hbm>>) dst(%arg7 : memref<64x1000xf32, #tpu.memory_space<vmem>>)
    %add3A_227 = arith.constant 704 : i32
    %add3A_228 = arith.addi %mul3A_2, %add3A_227 : i32
    %dma_start3A_229 = arith.constant 0 : i32
    %dma_start3A_230 = tpu.memref_slice %arg4[%add3A_228, %dma_start3A_229] : memref<32768x1000xf32, #tpu.memory_space<hbm>> -> memref<64x1000xf32, #tpu.memory_space<hbm>>
    %dma_start3A_231 = arith.constant 0 : i32
    %dma_start3A_232 = tpu.memref_slice %arg4[%add3A_228, %dma_start3A_231] : memref<32768x1000xf32, #tpu.memory_space<hbm>> -> memref<64x1000xf32, #tpu.memory_space<hbm>>
    tpu.enqueue_dma source(%arg7 : memref<64x1000xf32, #tpu.memory_space<vmem>>) target(%dma_start3A_232 : memref<64x1000xf32, #tpu.memory_space<hbm>>) target_semaphore(%arg11 : memref<!tpu.dma_semaphore, #tpu.memory_space<semaphore_mem>>)
    %dma_wait3A_233 = arith.constant 0 : i32
    %dma_wait3A_234 = tpu.memref_slice %arg4[%add3A_208, %dma_wait3A_233] : memref<32768x1000xf32, #tpu.memory_space<hbm>> -> memref<64x1000xf32, #tpu.memory_space<hbm>>
    %dma_wait3A_235 = arith.constant 0 : i32
    %dma_wait3A_236 = tpu.memref_slice %arg4[%add3A_208, %dma_wait3A_235] : memref<32768x1000xf32, #tpu.memory_space<hbm>> -> memref<64x1000xf32, #tpu.memory_space<hbm>>
    tpu.wait_dma2 semaphore(%arg10 : memref<!tpu.dma_semaphore, #tpu.memory_space<semaphore_mem>>) src(%arg6 : memref<64x1000xf32, #tpu.memory_space<vmem>>) dst(%dma_wait3A_236 : memref<64x1000xf32, #tpu.memory_space<hbm>>)
    %dma_start3A_237 = arith.constant 768 : i32
    %dma_start3A_238 = tpu.memref_slice %arg5[%dma_start3A_237] : memref<1024xi32, #tpu.memory_space<vmem>> -> memref<64xi32, #tpu.memory_space<vmem>>
    %dma_start3A_239 = arith.constant 0 : i32
    %dma_start3A_240 = arith.constant 0 : i32
    %dma_start3A_241 = tpu.memref_slice %arg3[%dma_start3A_239, %dma_start3A_240] : memref<1000x1000xf32, #tpu.memory_space<hbm>> -> memref<1000x1000xf32, #tpu.memory_space<hbm>>
    tpu.enqueue_indirect_dma source(%dma_start3A_241 : memref<1000x1000xf32, #tpu.memory_space<hbm>>) target(%arg6 : memref<64x1000xf32, #tpu.memory_space<vmem>>) offsets(%dma_start3A_238 : memref<64xi32, #tpu.memory_space<vmem>>) semaphore(%arg8 : memref<!tpu.dma_semaphore, #tpu.memory_space<semaphore_mem>>)
    %dma_wait3A_242 = arith.constant 768 : i32
    %dma_wait3A_243 = tpu.memref_slice %arg5[%dma_wait3A_242] : memref<1024xi32, #tpu.memory_space<vmem>> -> memref<64xi32, #tpu.memory_space<vmem>>
    %dma_wait3A_244 = arith.constant 0 : i32
    %dma_wait3A_245 = arith.constant 0 : i32
    %dma_wait3A_246 = tpu.memref_slice %arg3[%dma_wait3A_244, %dma_wait3A_245] : memref<1000x1000xf32, #tpu.memory_space<hbm>> -> memref<1000x1000xf32, #tpu.memory_space<hbm>>
    tpu.wait_indirect_dma semaphore(%arg8 : memref<!tpu.dma_semaphore, #tpu.memory_space<semaphore_mem>>) src(%dma_wait3A_246 : memref<1000x1000xf32, #tpu.memory_space<hbm>>) dst(%arg6 : memref<64x1000xf32, #tpu.memory_space<vmem>>)
    %add3A_247 = arith.constant 768 : i32
    %add3A_248 = arith.addi %mul3A_2, %add3A_247 : i32
    %dma_start3A_249 = arith.constant 0 : i32
    %dma_start3A_250 = tpu.memref_slice %arg4[%add3A_248, %dma_start3A_249] : memref<32768x1000xf32, #tpu.memory_space<hbm>> -> memref<64x1000xf32, #tpu.memory_space<hbm>>
    %dma_start3A_251 = arith.constant 0 : i32
    %dma_start3A_252 = tpu.memref_slice %arg4[%add3A_248, %dma_start3A_251] : memref<32768x1000xf32, #tpu.memory_space<hbm>> -> memref<64x1000xf32, #tpu.memory_space<hbm>>
    tpu.enqueue_dma source(%arg6 : memref<64x1000xf32, #tpu.memory_space<vmem>>) target(%dma_start3A_252 : memref<64x1000xf32, #tpu.memory_space<hbm>>) target_semaphore(%arg10 : memref<!tpu.dma_semaphore, #tpu.memory_space<semaphore_mem>>)
    %dma_wait3A_253 = arith.constant 0 : i32
    %dma_wait3A_254 = tpu.memref_slice %arg4[%add3A_228, %dma_wait3A_253] : memref<32768x1000xf32, #tpu.memory_space<hbm>> -> memref<64x1000xf32, #tpu.memory_space<hbm>>
    %dma_wait3A_255 = arith.constant 0 : i32
    %dma_wait3A_256 = tpu.memref_slice %arg4[%add3A_228, %dma_wait3A_255] : memref<32768x1000xf32, #tpu.memory_space<hbm>> -> memref<64x1000xf32, #tpu.memory_space<hbm>>
    tpu.wait_dma2 semaphore(%arg11 : memref<!tpu.dma_semaphore, #tpu.memory_space<semaphore_mem>>) src(%arg7 : memref<64x1000xf32, #tpu.memory_space<vmem>>) dst(%dma_wait3A_256 : memref<64x1000xf32, #tpu.memory_space<hbm>>)
    %dma_start3A_257 = arith.constant 832 : i32
    %dma_start3A_258 = tpu.memref_slice %arg5[%dma_start3A_257] : memref<1024xi32, #tpu.memory_space<vmem>> -> memref<64xi32, #tpu.memory_space<vmem>>
    %dma_start3A_259 = arith.constant 0 : i32
    %dma_start3A_260 = arith.constant 0 : i32
    %dma_start3A_261 = tpu.memref_slice %arg3[%dma_start3A_259, %dma_start3A_260] : memref<1000x1000xf32, #tpu.memory_space<hbm>> -> memref<1000x1000xf32, #tpu.memory_space<hbm>>
    tpu.enqueue_indirect_dma source(%dma_start3A_261 : memref<1000x1000xf32, #tpu.memory_space<hbm>>) target(%arg7 : memref<64x1000xf32, #tpu.memory_space<vmem>>) offsets(%dma_start3A_258 : memref<64xi32, #tpu.memory_space<vmem>>) semaphore(%arg9 : memref<!tpu.dma_semaphore, #tpu.memory_space<semaphore_mem>>)
    %dma_wait3A_262 = arith.constant 832 : i32
    %dma_wait3A_263 = tpu.memref_slice %arg5[%dma_wait3A_262] : memref<1024xi32, #tpu.memory_space<vmem>> -> memref<64xi32, #tpu.memory_space<vmem>>
    %dma_wait3A_264 = arith.constant 0 : i32
    %dma_wait3A_265 = arith.constant 0 : i32
    %dma_wait3A_266 = tpu.memref_slice %arg3[%dma_wait3A_264, %dma_wait3A_265] : memref<1000x1000xf32, #tpu.memory_space<hbm>> -> memref<1000x1000xf32, #tpu.memory_space<hbm>>
    tpu.wait_indirect_dma semaphore(%arg9 : memref<!tpu.dma_semaphore, #tpu.memory_space<semaphore_mem>>) src(%dma_wait3A_266 : memref<1000x1000xf32, #tpu.memory_space<hbm>>) dst(%arg7 : memref<64x1000xf32, #tpu.memory_space<vmem>>)
    %add3A_267 = arith.constant 832 : i32
    %add3A_268 = arith.addi %mul3A_2, %add3A_267 : i32
    %dma_start3A_269 = arith.constant 0 : i32
    %dma_start3A_270 = tpu.memref_slice %arg4[%add3A_268, %dma_start3A_269] : memref<32768x1000xf32, #tpu.memory_space<hbm>> -> memref<64x1000xf32, #tpu.memory_space<hbm>>
    %dma_start3A_271 = arith.constant 0 : i32
    %dma_start3A_272 = tpu.memref_slice %arg4[%add3A_268, %dma_start3A_271] : memref<32768x1000xf32, #tpu.memory_space<hbm>> -> memref<64x1000xf32, #tpu.memory_space<hbm>>
    tpu.enqueue_dma source(%arg7 : memref<64x1000xf32, #tpu.memory_space<vmem>>) target(%dma_start3A_272 : memref<64x1000xf32, #tpu.memory_space<hbm>>) target_semaphore(%arg11 : memref<!tpu.dma_semaphore, #tpu.memory_space<semaphore_mem>>)
    %dma_wait3A_273 = arith.constant 0 : i32
    %dma_wait3A_274 = tpu.memref_slice %arg4[%add3A_248, %dma_wait3A_273] : memref<32768x1000xf32, #tpu.memory_space<hbm>> -> memref<64x1000xf32, #tpu.memory_space<hbm>>
    %dma_wait3A_275 = arith.constant 0 : i32
    %dma_wait3A_276 = tpu.memref_slice %arg4[%add3A_248, %dma_wait3A_275] : memref<32768x1000xf32, #tpu.memory_space<hbm>> -> memref<64x1000xf32, #tpu.memory_space<hbm>>
    tpu.wait_dma2 semaphore(%arg10 : memref<!tpu.dma_semaphore, #tpu.memory_space<semaphore_mem>>) src(%arg6 : memref<64x1000xf32, #tpu.memory_space<vmem>>) dst(%dma_wait3A_276 : memref<64x1000xf32, #tpu.memory_space<hbm>>)
    %dma_start3A_277 = arith.constant 896 : i32
    %dma_start3A_278 = tpu.memref_slice %arg5[%dma_start3A_277] : memref<1024xi32, #tpu.memory_space<vmem>> -> memref<64xi32, #tpu.memory_space<vmem>>
    %dma_start3A_279 = arith.constant 0 : i32
    %dma_start3A_280 = arith.constant 0 : i32
    %dma_start3A_281 = tpu.memref_slice %arg3[%dma_start3A_279, %dma_start3A_280] : memref<1000x1000xf32, #tpu.memory_space<hbm>> -> memref<1000x1000xf32, #tpu.memory_space<hbm>>
    tpu.enqueue_indirect_dma source(%dma_start3A_281 : memref<1000x1000xf32, #tpu.memory_space<hbm>>) target(%arg6 : memref<64x1000xf32, #tpu.memory_space<vmem>>) offsets(%dma_start3A_278 : memref<64xi32, #tpu.memory_space<vmem>>) semaphore(%arg8 : memref<!tpu.dma_semaphore, #tpu.memory_space<semaphore_mem>>)
    %dma_wait3A_282 = arith.constant 896 : i32
    %dma_wait3A_283 = tpu.memref_slice %arg5[%dma_wait3A_282] : memref<1024xi32, #tpu.memory_space<vmem>> -> memref<64xi32, #tpu.memory_space<vmem>>
    %dma_wait3A_284 = arith.constant 0 : i32
    %dma_wait3A_285 = arith.constant 0 : i32
    %dma_wait3A_286 = tpu.memref_slice %arg3[%dma_wait3A_284, %dma_wait3A_285] : memref<1000x1000xf32, #tpu.memory_space<hbm>> -> memref<1000x1000xf32, #tpu.memory_space<hbm>>
    tpu.wait_indirect_dma semaphore(%arg8 : memref<!tpu.dma_semaphore, #tpu.memory_space<semaphore_mem>>) src(%dma_wait3A_286 : memref<1000x1000xf32, #tpu.memory_space<hbm>>) dst(%arg6 : memref<64x1000xf32, #tpu.memory_space<vmem>>)
    %add3A_287 = arith.constant 896 : i32
    %add3A_288 = arith.addi %mul3A_2, %add3A_287 : i32
    %dma_start3A_289 = arith.constant 0 : i32
    %dma_start3A_290 = tpu.memref_slice %arg4[%add3A_288, %dma_start3A_289] : memref<32768x1000xf32, #tpu.memory_space<hbm>> -> memref<64x1000xf32, #tpu.memory_space<hbm>>
    %dma_start3A_291 = arith.constant 0 : i32
    %dma_start3A_292 = tpu.memref_slice %arg4[%add3A_288, %dma_start3A_291] : memref<32768x1000xf32, #tpu.memory_space<hbm>> -> memref<64x1000xf32, #tpu.memory_space<hbm>>
    tpu.enqueue_dma source(%arg6 : memref<64x1000xf32, #tpu.memory_space<vmem>>) target(%dma_start3A_292 : memref<64x1000xf32, #tpu.memory_space<hbm>>) target_semaphore(%arg10 : memref<!tpu.dma_semaphore, #tpu.memory_space<semaphore_mem>>)
    %dma_wait3A_293 = arith.constant 0 : i32
    %dma_wait3A_294 = tpu.memref_slice %arg4[%add3A_268, %dma_wait3A_293] : memref<32768x1000xf32, #tpu.memory_space<hbm>> -> memref<64x1000xf32, #tpu.memory_space<hbm>>
    %dma_wait3A_295 = arith.constant 0 : i32
    %dma_wait3A_296 = tpu.memref_slice %arg4[%add3A_268, %dma_wait3A_295] : memref<32768x1000xf32, #tpu.memory_space<hbm>> -> memref<64x1000xf32, #tpu.memory_space<hbm>>
    tpu.wait_dma2 semaphore(%arg11 : memref<!tpu.dma_semaphore, #tpu.memory_space<semaphore_mem>>) src(%arg7 : memref<64x1000xf32, #tpu.memory_space<vmem>>) dst(%dma_wait3A_296 : memref<64x1000xf32, #tpu.memory_space<hbm>>)
    %dma_start3A_297 = arith.constant 960 : i32
    %dma_start3A_298 = tpu.memref_slice %arg5[%dma_start3A_297] : memref<1024xi32, #tpu.memory_space<vmem>> -> memref<64xi32, #tpu.memory_space<vmem>>
    %dma_start3A_299 = arith.constant 0 : i32
    %dma_start3A_300 = arith.constant 0 : i32
    %dma_start3A_301 = tpu.memref_slice %arg3[%dma_start3A_299, %dma_start3A_300] : memref<1000x1000xf32, #tpu.memory_space<hbm>> -> memref<1000x1000xf32, #tpu.memory_space<hbm>>
    tpu.enqueue_indirect_dma source(%dma_start3A_301 : memref<1000x1000xf32, #tpu.memory_space<hbm>>) target(%arg7 : memref<64x1000xf32, #tpu.memory_space<vmem>>) offsets(%dma_start3A_298 : memref<64xi32, #tpu.memory_space<vmem>>) semaphore(%arg9 : memref<!tpu.dma_semaphore, #tpu.memory_space<semaphore_mem>>)
    %dma_wait3A_302 = arith.constant 960 : i32
    %dma_wait3A_303 = tpu.memref_slice %arg5[%dma_wait3A_302] : memref<1024xi32, #tpu.memory_space<vmem>> -> memref<64xi32, #tpu.memory_space<vmem>>
    %dma_wait3A_304 = arith.constant 0 : i32
    %dma_wait3A_305 = arith.constant 0 : i32
    %dma_wait3A_306 = tpu.memref_slice %arg3[%dma_wait3A_304, %dma_wait3A_305] : memref<1000x1000xf32, #tpu.memory_space<hbm>> -> memref<1000x1000xf32, #tpu.memory_space<hbm>>
    tpu.wait_indirect_dma semaphore(%arg9 : memref<!tpu.dma_semaphore, #tpu.memory_space<semaphore_mem>>) src(%dma_wait3A_306 : memref<1000x1000xf32, #tpu.memory_space<hbm>>) dst(%arg7 : memref<64x1000xf32, #tpu.memory_space<vmem>>)
    %add3A_307 = arith.constant 960 : i32
    %add3A_308 = arith.addi %mul3A_2, %add3A_307 : i32
    %dma_start3A_309 = arith.constant 0 : i32
    %dma_start3A_310 = tpu.memref_slice %arg4[%add3A_308, %dma_start3A_309] : memref<32768x1000xf32, #tpu.memory_space<hbm>> -> memref<64x1000xf32, #tpu.memory_space<hbm>>
    %dma_start3A_311 = arith.constant 0 : i32
    %dma_start3A_312 = tpu.memref_slice %arg4[%add3A_308, %dma_start3A_311] : memref<32768x1000xf32, #tpu.memory_space<hbm>> -> memref<64x1000xf32, #tpu.memory_space<hbm>>
    tpu.enqueue_dma source(%arg7 : memref<64x1000xf32, #tpu.memory_space<vmem>>) target(%dma_start3A_312 : memref<64x1000xf32, #tpu.memory_space<hbm>>) target_semaphore(%arg11 : memref<!tpu.dma_semaphore, #tpu.memory_space<semaphore_mem>>)
    %dma_wait3A_313 = arith.constant 0 : i32
    %dma_wait3A_314 = tpu.memref_slice %arg4[%add3A_288, %dma_wait3A_313] : memref<32768x1000xf32, #tpu.memory_space<hbm>> -> memref<64x1000xf32, #tpu.memory_space<hbm>>
    %dma_wait3A_315 = arith.constant 0 : i32
    %dma_wait3A_316 = tpu.memref_slice %arg4[%add3A_288, %dma_wait3A_315] : memref<32768x1000xf32, #tpu.memory_space<hbm>> -> memref<64x1000xf32, #tpu.memory_space<hbm>>
    tpu.wait_dma2 semaphore(%arg10 : memref<!tpu.dma_semaphore, #tpu.memory_space<semaphore_mem>>) src(%arg6 : memref<64x1000xf32, #tpu.memory_space<vmem>>) dst(%dma_wait3A_316 : memref<64x1000xf32, #tpu.memory_space<hbm>>)
    %dma_wait3A_317 = arith.constant 0 : i32
    %dma_wait3A_318 = tpu.memref_slice %arg4[%add3A_308, %dma_wait3A_317] : memref<32768x1000xf32, #tpu.memory_space<hbm>> -> memref<64x1000xf32, #tpu.memory_space<hbm>>
    %dma_wait3A_319 = arith.constant 0 : i32
    %dma_wait3A_320 = tpu.memref_slice %arg4[%add3A_308, %dma_wait3A_319] : memref<32768x1000xf32, #tpu.memory_space<hbm>> -> memref<64x1000xf32, #tpu.memory_space<hbm>>
    tpu.wait_dma2 semaphore(%arg11 : memref<!tpu.dma_semaphore, #tpu.memory_space<semaphore_mem>>) src(%arg7 : memref<64x1000xf32, #tpu.memory_space<vmem>>) dst(%dma_wait3A_320 : memref<64x1000xf32, #tpu.memory_space<hbm>>)
    return
  }
}

</mosaic_0001>

<sc_bundles>
// kernel: kernel.3.cloned.1.call-start
scs
__scs_entry_jumppad:
0x0: {  	(pc) =	sbr.rel $0x88, $3  }
0x1: {  	(tag) =	ssettag $0x0;
	lr =	simm.s32 $0x1  }
0x2: {  	[smem:$0x3F9F] =	sst lr;
	_ =	strace $0xD0000000  }
0x3: {  	_ = 	snop  }
0x4: {  	_ = 	snop  }
0x5: {  	_ = 	snop  }
0x6: {  	_ = 	snop  }
0x7: {  	_ = 	snop  }
__scs_overlays_trampoline_lowered:
0x8: {  	[smem:$0x3FAE] =	sst s0  }
0x9: {  	[smem:$0x3FAF] =	sst s1  }
0xa: {  	[smem:$0x3FB0] =	sst s2  }
0xb: {  	[smem:$0x3FB1] =	sst s3  }
0xc: {  	[smem:$0x3FB2] =	sst s4  }
0xd: {  	[smem:$0x3FB3] =	sst s5  }
0xe: {  	[smem:$0x3FB4] =	sst s6  }
0xf: {  	[smem:$0x3FB5] =	sst s7  }
0x10: {  	[smem:$0x3FB6] =	sst s8  }
0x11: {  	[smem:$0x3FB7] =	sst s9;
	s0 =	simm.s32 @!p0 $0x0  }
0x12: {  	s1 =	sld [smem:$0x3F9D];
	s0 =	simm.s32 @p0 $0x1  }
0x13: {  	[smem:$0x3FB8] =	sst s0;
	s0 =	simm.s32 @!p1 $0x0  }
0x14: {  	s2 =	sld [smem:$0x3F9C];
	s0 =	simm.s32 @p1 $0x1  }
0x15: {  	[smem:$0x3FB9] =	sst s0;
	s0 =	simm.s32 @!p2 $0x0  }
0x16: {  	s3 =	sld [smem:$0x3FDB];
	s0 =	simm.s32 @p2 $0x1  }
0x17: {  	s4 =	simm.s32 $0x1BF5;
	[smem:$0x3FBB] =	sst s0  }
0x18: {  	s0 =	sld [smem:$0x3F9E];
	_ =	swait.ge [sflag:s4], $0x0  }
0x19: {  	s7 =	sld [smem:$0x3F9F]  }
0x1a: {  	s8 =	sadd.s32 $0xFFFFE003, lr  }
0x1b: {  	s9 =	sadd.s32 $0xFFFFFEF7, lr;
	s5 =	simm.s32 $0xFFFFFFFF;
	p2 =	slt.u32 s8, $0xFFFFF086  }
0x1c: {  	p1 =	slt.u32 s9, $0xF7A;
	s5 =	simm.s32 @!p2 $0x0  }
0x1d: {  	s5 =	simm.s32 @p1 $0x1;
	p0 =	seq.s32 s7, s2  }
0x1e: {  	s7 =	smul.u32 @!p0 $0xF7A, s2;
	p2 =	seq.s32 @!p0 s5, $0x0  }
0x1f: {  	s9 =	smul.u32 $0xF7A, s1;
	s8 =	simm.s32 @!p0 $0x1BF5;
	p2 =	por !p2, p0  }
0x20: {  	[sflag:s8] =	ssyncset.s32 @!p0 $0xFFFFF086;
	s6 =	sadd.s32 @!p0 s3, s7;
	s7 =	simm.s32 @!p0 $0x108  }
0x21: {  	s3 =	sadd.s32 s3, s9;
	s6 =	sadd.s32 @!p0 $0x88, s6;
	s7 =	simm.s32 @p2 $0x1082  }
0x22: {  	[simem:s7], [sflag:s8] =	dma.local @!p0 [hbm:s6], $0xF7A  }
0x23: {  	s9 =	sor.u32 $0xD0000000, s2;
	s6 =	simm.s32 $0x108;
	_ =	swait.ge @!p0 [sflag:s8], $0x0  }
0x24: {  	s3 =	sadd.s32 $0x88, s3;
	s6 =	simm.s32 @!p1 $0x1082;
	[sflag:s4] =	ssyncset.s32 $0xFFFFF086  }
0x25: {  	[simem:s6], [sflag:s4] =	dma.local [hbm:s3], $0xF7A  }
0x26: {  	[smem:$0x3F9F] =	sst s1;
	(tag) =	ssettag s2;
	_ =	strace s9  }
0x27: {  	s1 =	sld [smem:$0x3FAF]  }
0x28: {  	s2 =	sld [smem:$0x3FB0]  }
0x29: {  	s4 =	sld [smem:$0x3FB2]  }
0x2a: {  	p0 =	seq.s32 s5, $0x0;
	s5 =	sld [smem:$0x3FB3]  }
0x2b: {  	s6 =	sld [smem:$0x3FB4]  }
0x2c: {  	s7 =	sld [smem:$0x3FB5]  }
0x2d: {  	s3 =	simm.s32 $0x108;
	s8 =	sld [smem:$0x3FB6]  }
0x2e: {  	s3 =	simm.s32 @!p0 $0x1082;
	s9 =	sld [smem:$0x3FB7]  }
0x2f: {  	lr =	sadd.s32 s0, s3;
	s0 =	sld [smem:$0x3FAE]  }
0x30: {  	s3 =	sld [smem:$0x3FB1]  }
0x31: {  	[smem:$0x3FBA] =	sst s10  }
0x32: {  	s10 =	sld [smem:$0x3FB8];
	_ =	sdelay $0x3  }
0x33: {  	p0 =	seq.s32 s10, $0x1;
	s10 =	sld [smem:$0x3FBA];
	_ =	sdelay $0x3  }
0x34: {  	[smem:$0x3FBA] =	sst s10  }
0x35: {  	s10 =	sld [smem:$0x3FB9];
	_ =	sdelay $0x3  }
0x36: {  	p1 =	seq.s32 s10, $0x1;
	s10 =	sld [smem:$0x3FBA];
	_ =	sdelay $0x3  }
0x37: {  	[smem:$0x3FBA] =	sst s10  }
0x38: {  	s10 =	sld [smem:$0x3FBB]  }
0x39: {  	_ = 	snop;
	(pc) =	sbr.ind lr, $3  }
0x3a: {  	_ = 	snop  }
0x3b: {  	_ = 	snop  }
0x3c: {  	p2 =	seq.s32 s10, $0x1;
	s10 =	sld [smem:$0x3FBA]  }
0x3d: {  	_ =	shalt  }
0x3e: {  	_ =	shalt  }
0x3f: {  	_ =	shalt  }
0x40: {  	_ =	shalt  }
0x41: {  	_ =	shalt  }
0x42: {  	_ =	shalt  }
0x43: {  	_ =	shalt  }
0x44: {  	_ =	shalt  }
0x45: {  	_ =	shalt  }
0x46: {  	_ =	shalt  }
0x47: {  	_ =	shalt  }
0x48: {  	_ =	shalt  }
0x49: {  	_ =	shalt  }
0x4a: {  	_ =	shalt  }
0x4b: {  	_ =	shalt  }
0x4c: {  	_ =	shalt  }
0x4d: {  	_ =	shalt  }
0x4e: {  	_ =	shalt  }
0x4f: {  	_ =	shalt  }
0x50: {  	_ =	shalt  }
0x51: {  	_ =	shalt  }
0x52: {  	_ =	shalt  }
0x53: {  	_ =	shalt  }
0x54: {  	_ =	shalt  }
0x55: {  	_ =	shalt  }
0x56: {  	_ =	shalt  }
0x57: {  	_ =	shalt  }
0x58: {  	_ =	shalt  }
0x59: {  	_ =	shalt  }
0x5a: {  	_ =	shalt  }
0x5b: {  	_ =	shalt  }
0x5c: {  	_ =	shalt  }
0x5d: {  	_ =	shalt  }
0x5e: {  	_ =	shalt  }
0x5f: {  	_ =	shalt  }
0x60: {  	_ =	shalt  }
0x61: {  	_ =	shalt  }
0x62: {  	_ =	shalt  }
0x63: {  	_ =	shalt  }
0x64: {  	_ =	shalt  }
0x65: {  	_ =	shalt  }
0x66: {  	_ =	shalt  }
0x67: {  	_ =	shalt  }
0x68: {  	_ =	shalt  }
0x69: {  	_ =	shalt  }
0x6a: {  	_ =	shalt  }
0x6b: {  	_ =	shalt  }
0x6c: {  	_ =	shalt  }
0x6d: {  	_ =	shalt  }
0x6e: {  	_ =	shalt  }
0x6f: {  	_ =	shalt  }
0x70: {  	_ =	shalt  }
0x71: {  	_ =	shalt  }
0x72: {  	_ =	shalt  }
0x73: {  	_ =	shalt  }
0x74: {  	_ =	shalt  }
0x75: {  	_ =	shalt  }
0x76: {  	_ =	shalt  }
0x77: {  	_ =	shalt  }
0x78: {  	_ =	shalt  }
0x79: {  	_ =	shalt  }
0x7a: {  	_ =	shalt  }
0x7b: {  	_ =	shalt  }
0x7c: {  	_ =	shalt  }
0x7d: {  	_ =	shalt  }
0x7e: {  	_ =	shalt  }
0x7f: {  	_ =	shalt  }
0x80: {  	_ =	shalt  }
0x81: {  	_ =	shalt  }
0x82: {  	_ =	shalt  }
0x83: {  	_ =	shalt  }
0x84: {  	_ =	shalt  }
0x85: {  	_ =	shalt  }
0x86: {  	_ =	shalt  }
0x87: {  	_ =	shalt  }
.Lfunc_end0:
.L_simem_size_0:
called_computation.1_lowered:
.L_overlay_start_0:
0x88: {  	s2 =	sld [smem:$0x3FD9]  }
0x89: {  	s3 =	sld [smem:$0x3FFE];
	_ =	sdelay $0x1  }
0x8a: {  	s1 =	srdreg.scid  }
0x8b: {  	s0 =	sand.u32 $0x1, s1  }
0x8c: {  	s17 =	sshll.u32 s0, $0xA;
	s2 =	sadd.s32 s3, s2  }
0x8d: {  	s2 =	sadd.s32 s2, s17  }
0x8e: {  	[smem:$0x3FC6] =	sst s2  }
0x8f: {  	_ = 	snop  }
0x90: {  	s2 =	sld [smem:$0x3FD0];
	(tm) =	ssettm $0x1  }
0x91: {  	s18 =	sld [smem:$0x3FFB];
	_ =	sdelay $0x3  }
0x92: {  	_ =	strace s18  }
0x93: {  	s3 =	sld [smem:$0x3FFC];
	_ =	sdelay $0x3  }
0x94: {  	_ =	strace s3  }
0x95: {  	s3 =	sld [smem:$0x3FFD];
	_ =	sdelay $0x3  }
0x96: {  	_ =	strace s3  }
0x97: {  	_ =	strace $0x8FFFFFFF  }
0x98: {  	s19 =	sld [smem:$0x3FDB];
	_ =	sdelay $0x1  }
0x99: {  	s4 =	simm.s32 $_scs_section_size  }
0x9a: {  	s5 =	simm.s32 $_size__tile_overlayer_lowered;
	s6 =	simm.s32 $_tile_overlayer_lowered  }
0x9b: {  	s22 =	simm.s32 $0x1BFF;
	s21 =	sshll.u32 s6, $0x1;
	s3 =	sadd.s32 s4, s19  }
0x9c: {  	s7 =	simm.s32 $0x0;
	s20 =	sshll.u32 s5, $0x1;
	s5 =	sadd.s32 s21, s3  }
0x9d: {  	[timem:s7], [sflag:s22] =	dma.local [hbm:s5], s20  }
0x9e: {  	_ =	swait.ge [sflag:s22], s20  }
0x9f: {  	s4 =	ssub.s32 $0x0, s20;
	[sflag:s22] =	ssyncset.done $0x0  }
0xa0: {  	[sflag:s22] =	ssyncadd.s32 s4;
	_ =	sdelay $0x1  }
0xa1: {  	s23 =	simm.s32 $0x1B8B  }
0xa2: {  	_ =	swait.ge [sflag:s23], $0x1  }
0xa3: {  	[sflag:s23] =	ssyncset.done $0x0  }
0xa4: {  	s25 =	simm.s32 $0x1B8E;
	s24 =	sld [smem:$0x3FFE];
	[sflag:s23] =	ssyncadd.s32 $0xFFFFFFFF  }
0xa5: {  	s26 =	simm.s32 $execute0_lowered;
	[smem:$0x3FD2] =	sst s25  }
0xa6: {  	s5 =	sshll.u32 s26, $0x1;
	_ =	strace $0x80000046;
	[dreg:$0x1] =	wrdreg $0xFFFFFFFF  }
0xa7: {  	s28 =	simm.s32 $_size_execute0_lowered;
	s3 =	sadd.s32 s3, s5;
	[dreg:$0x0] =	wrdreg $0x0  }
0xa8: {  	s5 =	sshll.u32 s28, $0x1;
	[dreg:$0x2] =	wrdreg s3  }
0xa9: {  	[dreg:$0x3] =	wrdreg s5  }
0xaa: {  	[dreg:$0x4] =	wrdreg $0xC0  }
0xab: {  	_ =	task [dreg:s7], $0x5FFFF  }
0xac: {  	[dreg:$0x1] =	wrdreg $0xFFFFFFFF  }
0xad: {  	[dreg:$0x0] =	wrdreg $0x60  }
0xae: {  	[dreg:$0x2] =	wrdreg s24  }
0xaf: {  	[dreg:$0x3] =	wrdreg s2  }
0xb0: {  	[dreg:$0x4] =	wrdreg $0x9  }
0xb1: {  	_ =	task.clear_ibuf [dreg:s7], $0x5FFFF;
	_ =	strace $0x90000046  }
0xb2: {  	s29 =	simm.s32 $0x9;
	_ =	strace $0x80000048  }
0xb3: {  	_ =	swait.ge [sflag:s29], $0x1  }
0xb4: {  	[sflag:s29] =	ssyncadd.s32 $0xFFFFFFFF  }
0xb5: {  	_ =	strace $0x90000048  }
0xb6: {  	_ =	sfence  }
0xb7: {  	s30 =	sld [smem:$0x0];
	_ =	sdelay $0x2  }
0xb8: {  	s31 =	sshll.u32 s1, $0xD;
	s1 =	sshrl.u32 s1, $0x2  }
0xb9: {  	s3 =	sand.u32 $0x4000, s31;
	s1 =	sadd.s32 s1, s30  }
0xba: {  	s0 =	sor.u32 s3, s0;
	s1 =	sshll.u32 s1, $0x11  }
0xbb: {  	s0 =	sor.u32 s1, s0  }
0xbc: {  	s0 =	sadd.s32 $0x8F2B, s0  }
0xbd: {  	[sflag:s0] =	ssyncadd.remote.s32 $0x1  }
0xbe: {  	_ =	sfence.sel $0xFFFF  }
0xbf: {  	[dreg:$0x0] =	wrdreg $0xFFFFFFFF;
	(pc) =	sbr.abs _section_cstart, $3  }
0xc0: {  	[dreg:$0x1] =	wrdreg $0xFFFFFFFF  }
0xc1: {  	_ =	task.clear_ibuf [dreg:s7], $0x2FFFF;
	_ =	strace $0x9FFFFFFF  }
0xc2: {  	(tm) =	ssettm $0x7FFFFFFF  }
0xc3: {  	_ =	shalt  }
tec
execute0_lowered:
.L_overlay_start_1:
0x0: {  	(tag) =	ssettag $0x1  }
0x1: {  	s1 =	srdreg.scid  }
0x2: {  	s0 =	stileid.u32;
	s1 =	sand.u32 $0x1, s1  }
0x3: {  	s2 =	sshll.u32 s0, $0xB;
	s5 =	sshll.u32 s1, $0xA  }
0x4: {  	s4 =	rddreg [dreg:$0x0];
	s5 =	sor.u32 s5, s2  }
0x5: {  	s2 =	simm.s32 $0x0;
	s6 =	sshrl.u32 s5, $0x3;
	s7 =	smul.u32 $0x3E8, s5  }
0x6: {  	[smem:$0x7FF] =	sst s2;
	s5 =	smul.u32 $0x7D, s5;
	s6 =	sadd.s32 s6, s4  }
0x7: {  	s3 =	rddreg [dreg:$0x1];
	_ =	strace $0x80000047;
	s6 =	sadd.s32 $0x800, s6  }
0x8: {  	s7 =	sshrl.u32 s7, $0x3;
	s5 =	sadd.s32 s3, s5;
	[dreg:$0x3] =	wrdreg s6  }
0x9: {  	s31 =	sadd.s32 s3, s7;
	[dreg:$0x4] =	wrdreg s5  }
0xa: {  	s3 =	sadd.s32 $0x1F40, s31;
	s25 =	rddreg [dreg:$0x3]  }
0xb: {  	s17 =	sadd.s32 $0x3E80, s31;
	[dreg:$0x5] =	wrdreg s3  }
0xc: {  	s18 =	sadd.s32 $0x5DC0, s31;
	[dreg:$0x6] =	wrdreg s17  }
0xd: {  	s19 =	sadd.s32 $0x7D00, s31;
	[dreg:$0x7] =	wrdreg s18  }
0xe: {  	s20 =	sadd.s32 $0x9C40, s31;
	[dreg:$0x8] =	wrdreg s19  }
0xf: {  	s21 =	sadd.s32 $0xBB80, s31;
	[dreg:$0x9] =	wrdreg s20  }
0x10: {  	s22 =	sadd.s32 $0xDAC0, s31;
	[dreg:$0xa] =	wrdreg s21  }
0x11: {  	s23 =	sadd.s32 $0xFA00, s31;
	[dreg:$0xb] =	wrdreg s22  }
0x12: {  	s24 =	sadd.s32 $0x11940, s31;
	[dreg:$0xc] =	wrdreg s23  }
0x13: {  	s26 =	sadd.s32 $0x13880, s31;
	[dreg:$0xd] =	wrdreg s24  }
0x14: {  	[dreg:$0xe] =	wrdreg s26;
	s3 =	simm.s32 $0x5  }
0x15: {  	[tilespmem:s2], [sflag:$0x5] =	stream.linear.gather [hbm4b:s25+s2], $0x400, $0x38;
	[tilespmem:$0x1F800] =	vst v63  }
0x16: {  	_ =	swait.ge [sflag:s3], $0x400  }
0x17: {  	s4 =	sadd.s32 $0x1800, s4;
	s5 =	simm.s32 $0x40;
	[sflag:s3] =	ssyncset.done $0x0  }
0x18: {  	s6 =	simm.s32 $0x400;
	s7 =	simm.s32 $0x1;
	[sflag:s3] =	ssyncadd.s32 $0xFFFFFC00  }
0x19: {  	[tilespmem:s6], [sflag:$0x1] =	stream.indirect.gather [hbm4b:s4+s5], $0x3E8, s2, s5, $0xb8;
	[tilespmem:$0x1F800] =	vst v63  }
0x1a: {  	_ =	swait.ge [sflag:s7], $0xFA00  }
0x1b: {  	[sflag:s7] =	ssyncset.done $0x0  }
0x1c: {  	s8 =	rddreg [dreg:$0x4];
	[sflag:s7] =	ssyncadd.s32 $0xFFFF0600  }
0x1d: {  	[hbm4b:s8+s2] =	stream.linear.scatter [tilespmem:s6], [sflag:$0x3], $0xFA00, $0x38;
	[tilespmem:$0x1F800] =	vst v63  }
0x1e: {  	s9 =	simm.s32 $0x2;
	s8 =	simm.s32 $0xFE00  }
0x1f: {  	[tilespmem:s8], [sflag:$0x2] =	stream.indirect.gather [hbm4b:s4+s5], $0x3E8, s5, s5, $0xb8;
	[tilespmem:$0x1F800] =	vst v63  }
0x20: {  	_ =	swait.ge [sflag:s9], $0xFA00  }
0x21: {  	[sflag:s9] =	ssyncset.done $0x0  }
0x22: {  	s10 =	simm.s32 $0x3;
	s11 =	rddreg [dreg:$0x5];
	[sflag:s9] =	ssyncadd.s32 $0xFFFF0600  }
0x23: {  	[hbm4b:s11+s2] =	stream.linear.scatter [tilespmem:s8], [sflag:$0x4], $0xFA00, $0x38;
	[tilespmem:$0x1F800] =	vst v63  }
0x24: {  	_ =	swait.ge [sflag:s10], $0xFA00  }
0x25: {  	[sflag:s10] =	ssyncset.done $0x0  }
0x26: {  	s11 =	simm.s32 $0x80;
	[sflag:s10] =	ssyncadd.s32 $0xFFFF0600  }
0x27: {  	[tilespmem:s6], [sflag:$0x1] =	stream.indirect.gather [hbm4b:s4+s5], $0x3E8, s11, s5, $0xb8;
	[tilespmem:$0x1F800] =	vst v63  }
0x28: {  	_ =	swait.ge [sflag:s7], $0xFA00  }
0x29: {  	[sflag:s7] =	ssyncset.done $0x0  }
0x2a: {  	s12 =	simm.s32 $0x4;
	s13 =	rddreg [dreg:$0x6];
	[sflag:s7] =	ssyncadd.s32 $0xFFFF0600  }
0x2b: {  	[hbm4b:s13+s2] =	stream.linear.scatter [tilespmem:s6], [sflag:$0x3], $0xFA00, $0x38;
	[tilespmem:$0x1F800] =	vst v63  }
0x2c: {  	_ =	swait.ge [sflag:s12], $0xFA00  }
0x2d: {  	[sflag:s12] =	ssyncset.done $0x0  }
0x2e: {  	s13 =	simm.s32 $0xC0;
	[sflag:s12] =	ssyncadd.s32 $0xFFFF0600  }
0x2f: {  	[tilespmem:s8], [sflag:$0x2] =	stream.indirect.gather [hbm4b:s4+s5], $0x3E8, s13, s5, $0xb8;
	[tilespmem:$0x1F800] =	vst v63  }
0x30: {  	_ =	swait.ge [sflag:s9], $0xFA00  }
0x31: {  	[sflag:s9] =	ssyncset.done $0x0  }
0x32: {  	s14 =	rddreg [dreg:$0x7];
	[sflag:s9] =	ssyncadd.s32 $0xFFFF0600  }
0x33: {  	[hbm4b:s14+s2] =	stream.linear.scatter [tilespmem:s8], [sflag:$0x4], $0xFA00, $0x38;
	[tilespmem:$0x1F800] =	vst v63  }
0x34: {  	_ =	swait.ge [sflag:s10], $0xFA00  }
0x35: {  	[sflag:s10] =	ssyncset.done $0x0  }
0x36: {  	s14 =	simm.s32 $0x100;
	[sflag:s10] =	ssyncadd.s32 $0xFFFF0600  }
0x37: {  	[tilespmem:s6], [sflag:$0x1] =	stream.indirect.gather [hbm4b:s4+s5], $0x3E8, s14, s5, $0xb8;
	[tilespmem:$0x1F800] =	vst v63  }
0x38: {  	_ =	swait.ge [sflag:s7], $0xFA00  }
0x39: {  	[sflag:s7] =	ssyncset.done $0x0  }
0x3a: {  	s15 =	rddreg [dreg:$0x8];
	[sflag:s7] =	ssyncadd.s32 $0xFFFF0600  }
0x3b: {  	[hbm4b:s15+s2] =	stream.linear.scatter [tilespmem:s6], [sflag:$0x3], $0xFA00, $0x38;
	[tilespmem:$0x1F800] =	vst v63  }
0x3c: {  	_ =	swait.ge [sflag:s12], $0xFA00  }
0x3d: {  	[sflag:s12] =	ssyncset.done $0x0  }
0x3e: {  	s15 =	simm.s32 $0x140;
	[sflag:s12] =	ssyncadd.s32 $0xFFFF0600  }
0x3f: {  	[tilespmem:s8], [sflag:$0x2] =	stream.indirect.gather [hbm4b:s4+s5], $0x3E8, s15, s5, $0xb8;
	[tilespmem:$0x1F800] =	vst v63  }
0x40: {  	_ =	swait.ge [sflag:s9], $0xFA00  }
0x41: {  	[sflag:s9] =	ssyncset.done $0x0  }
0x42: {  	s16 =	rddreg [dreg:$0x9];
	[sflag:s9] =	ssyncadd.s32 $0xFFFF0600  }
0x43: {  	[hbm4b:s16+s2] =	stream.linear.scatter [tilespmem:s8], [sflag:$0x4], $0xFA00, $0x38;
	[tilespmem:$0x1F800] =	vst v63  }
0x44: {  	_ =	swait.ge [sflag:s10], $0xFA00  }
0x45: {  	[sflag:s10] =	ssyncset.done $0x0  }
0x46: {  	s16 =	simm.s32 $0x180;
	[sflag:s10] =	ssyncadd.s32 $0xFFFF0600  }
0x47: {  	[tilespmem:s6], [sflag:$0x1] =	stream.indirect.gather [hbm4b:s4+s5], $0x3E8, s16, s5, $0xb8;
	[tilespmem:$0x1F800] =	vst v63  }
0x48: {  	_ =	swait.ge [sflag:s7], $0xFA00  }
0x49: {  	[sflag:s7] =	ssyncset.done $0x0  }
0x4a: {  	s17 =	rddreg [dreg:$0xa];
	[sflag:s7] =	ssyncadd.s32 $0xFFFF0600  }
0x4b: {  	[hbm4b:s17+s2] =	stream.linear.scatter [tilespmem:s6], [sflag:$0x3], $0xFA00, $0x38;
	[tilespmem:$0x1F800] =	vst v63  }
0x4c: {  	_ =	swait.ge [sflag:s12], $0xFA00  }
0x4d: {  	[sflag:s12] =	ssyncset.done $0x0  }
0x4e: {  	s17 =	simm.s32 $0x1C0;
	[sflag:s12] =	ssyncadd.s32 $0xFFFF0600  }
0x4f: {  	[tilespmem:s8], [sflag:$0x2] =	stream.indirect.gather [hbm4b:s4+s5], $0x3E8, s17, s5, $0xb8;
	[tilespmem:$0x1F800] =	vst v63  }
0x50: {  	_ =	swait.ge [sflag:s9], $0xFA00  }
0x51: {  	[sflag:s9] =	ssyncset.done $0x0  }
0x52: {  	s18 =	rddreg [dreg:$0xb];
	[sflag:s9] =	ssyncadd.s32 $0xFFFF0600  }
0x53: {  	[hbm4b:s18+s2] =	stream.linear.scatter [tilespmem:s8], [sflag:$0x4], $0xFA00, $0x38;
	[tilespmem:$0x1F800] =	vst v63  }
0x54: {  	_ =	swait.ge [sflag:s10], $0xFA00  }
0x55: {  	[sflag:s10] =	ssyncset.done $0x0  }
0x56: {  	s18 =	simm.s32 $0x200;
	[sflag:s10] =	ssyncadd.s32 $0xFFFF0600  }
0x57: {  	[tilespmem:s6], [sflag:$0x1] =	stream.indirect.gather [hbm4b:s4+s5], $0x3E8, s18, s5, $0xb8;
	[tilespmem:$0x1F800] =	vst v63  }
0x58: {  	_ =	swait.ge [sflag:s7], $0xFA00  }
0x59: {  	[sflag:s7] =	ssyncset.done $0x0  }
0x5a: {  	s19 =	rddreg [dreg:$0xc];
	[sflag:s7] =	ssyncadd.s32 $0xFFFF0600  }
0x5b: {  	[hbm4b:s19+s2] =	stream.linear.scatter [tilespmem:s6], [sflag:$0x3], $0xFA00, $0x38;
	[tilespmem:$0x1F800] =	vst v63  }
0x5c: {  	_ =	swait.ge [sflag:s12], $0xFA00  }
0x5d: {  	[sflag:s12] =	ssyncset.done $0x0  }
0x5e: {  	s19 =	simm.s32 $0x240;
	[sflag:s12] =	ssyncadd.s32 $0xFFFF0600  }
0x5f: {  	[tilespmem:s8], [sflag:$0x2] =	stream.indirect.gather [hbm4b:s4+s5], $0x3E8, s19, s5, $0xb8;
	[tilespmem:$0x1F800] =	vst v63  }
0x60: {  	_ =	swait.ge [sflag:s9], $0xFA00  }
0x61: {  	[sflag:s9] =	ssyncset.done $0x0  }
0x62: {  	s20 =	rddreg [dreg:$0xd];
	[sflag:s9] =	ssyncadd.s32 $0xFFFF0600  }
0x63: {  	[hbm4b:s20+s2] =	stream.linear.scatter [tilespmem:s8], [sflag:$0x4], $0xFA00, $0x38;
	[tilespmem:$0x1F800] =	vst v63  }
0x64: {  	_ =	swait.ge [sflag:s10], $0xFA00  }
0x65: {  	[sflag:s10] =	ssyncset.done $0x0  }
0x66: {  	s20 =	simm.s32 $0x280;
	[sflag:s10] =	ssyncadd.s32 $0xFFFF0600  }
0x67: {  	[tilespmem:s6], [sflag:$0x1] =	stream.indirect.gather [hbm4b:s4+s5], $0x3E8, s20, s5, $0xb8;
	[tilespmem:$0x1F800] =	vst v63  }
0x68: {  	_ =	swait.ge [sflag:s7], $0xFA00  }
0x69: {  	[sflag:s7] =	ssyncset.done $0x0  }
0x6a: {  	s21 =	rddreg [dreg:$0xe];
	[sflag:s7] =	ssyncadd.s32 $0xFFFF0600  }
0x6b: {  	[hbm4b:s21+s2] =	stream.linear.scatter [tilespmem:s6], [sflag:$0x3], $0xFA00, $0x38;
	[tilespmem:$0x1F800] =	vst v63  }
0x6c: {  	_ =	swait.ge [sflag:s12], $0xFA00  }
0x6d: {  	[sflag:s12] =	ssyncset.done $0x0  }
0x6e: {  	s21 =	simm.s32 $0x2C0;
	[sflag:s12] =	ssyncadd.s32 $0xFFFF0600  }
0x6f: {  	[tilespmem:s8], [sflag:$0x2] =	stream.indirect.gather [hbm4b:s4+s5], $0x3E8, s21, s5, $0xb8;
	[tilespmem:$0x1F800] =	vst v63  }
0x70: {  	_ =	swait.ge [sflag:s9], $0xFA00  }
0x71: {  	[sflag:s9] =	ssyncset.done $0x0  }
0x72: {  	s22 =	sadd.s32 $0x157C0, s31;
	[sflag:s9] =	ssyncadd.s32 $0xFFFF0600  }
0x73: {  	[hbm4b:s22+s2] =	stream.linear.scatter [tilespmem:s8], [sflag:$0x4], $0xFA00, $0x38;
	[tilespmem:$0x1F800] =	vst v63  }
0x74: {  	_ =	swait.ge [sflag:s10], $0xFA00  }
0x75: {  	[sflag:s10] =	ssyncset.done $0x0  }
0x76: {  	s23 =	simm.s32 $0x300;
	[sflag:s10] =	ssyncadd.s32 $0xFFFF0600  }
0x77: {  	[tilespmem:s6], [sflag:$0x1] =	stream.indirect.gather [hbm4b:s4+s5], $0x3E8, s23, s5, $0xb8;
	[tilespmem:$0x1F800] =	vst v63  }
0x78: {  	_ =	swait.ge [sflag:s7], $0xFA00  }
0x79: {  	[sflag:s7] =	ssyncset.done $0x0  }
0x7a: {  	s24 =	sadd.s32 $0x17700, s31;
	[sflag:s7] =	ssyncadd.s32 $0xFFFF0600  }
0x7b: {  	[hbm4b:s24+s2] =	stream.linear.scatter [tilespmem:s6], [sflag:$0x3], $0xFA00, $0x38;
	[tilespmem:$0x1F800] =	vst v63  }
0x7c: {  	_ =	swait.ge [sflag:s12], $0xFA00  }
0x7d: {  	[sflag:s12] =	ssyncset.done $0x0  }
0x7e: {  	s25 =	simm.s32 $0x340;
	[sflag:s12] =	ssyncadd.s32 $0xFFFF0600  }
0x7f: {  	[tilespmem:s8], [sflag:$0x2] =	stream.indirect.gather [hbm4b:s4+s5], $0x3E8, s25, s5, $0xb8;
	[tilespmem:$0x1F800] =	vst v63  }
0x80: {  	_ =	swait.ge [sflag:s9], $0xFA00  }
0x81: {  	[sflag:s9] =	ssyncset.done $0x0  }
0x82: {  	s26 =	sadd.s32 $0x19640, s31;
	[sflag:s9] =	ssyncadd.s32 $0xFFFF0600  }
0x83: {  	[hbm4b:s26+s2] =	stream.linear.scatter [tilespmem:s8], [sflag:$0x4], $0xFA00, $0x38;
	[tilespmem:$0x1F800] =	vst v63  }
0x84: {  	_ =	swait.ge [sflag:s10], $0xFA00  }
0x85: {  	[sflag:s10] =	ssyncset.done $0x0  }
0x86: {  	s28 =	simm.s32 $0x380;
	[sflag:s10] =	ssyncadd.s32 $0xFFFF0600  }
0x87: {  	[tilespmem:s6], [sflag:$0x1] =	stream.indirect.gather [hbm4b:s4+s5], $0x3E8, s28, s5, $0xb8;
	[tilespmem:$0x1F800] =	vst v63  }
0x88: {  	_ =	swait.ge [sflag:s7], $0xFA00  }
0x89: {  	[sflag:s7] =	ssyncset.done $0x0  }
0x8a: {  	s29 =	sadd.s32 $0x1B580, s31;
	[sflag:s7] =	ssyncadd.s32 $0xFFFF0600  }
0x8b: {  	[hbm4b:s29+s2] =	stream.linear.scatter [tilespmem:s6], [sflag:$0x3], $0xFA00, $0x38;
	[tilespmem:$0x1F800] =	vst v63  }
0x8c: {  	_ =	swait.ge [sflag:s12], $0xFA00  }
0x8d: {  	s1 =	ssub.s32 $0x2, s1;
	[sflag:s12] =	ssyncset.done $0x0  }
0x8e: {  	s30 =	simm.s32 $0x3C0;
	s0 =	sshrl.u32 s1, $0x1;
	[sflag:s12] =	ssyncadd.s32 $0xFFFF0600  }
0x8f: {  	[tilespmem:s8], [sflag:$0x2] =	stream.indirect.gather [hbm4b:s4+s5], $0x3E8, s30, s5, $0xb8;
	[tilespmem:$0x1F800] =	vst v63  }
0x90: {  	s0 =	ssub.s32 s1, s0;
	_ =	swait.ge [sflag:s9], $0xFA00  }
0x91: {  	s0 =	smax.u32 s0, $0x1;
	[sflag:s9] =	ssyncset.done $0x0  }
0x92: {  	p0 =	sne.s32 s0, $0x1;
	s31 =	sadd.s32 $0x1D4C0, s31;
	[sflag:s9] =	ssyncadd.s32 $0xFFFF0600  }
0x93: {  	[hbm4b:s31+s2] =	stream.linear.scatter [tilespmem:s8], [sflag:$0x4], $0xFA00, $0x38;
	[tilespmem:$0x1F800] =	vst v63  }
.Ltmp0:
0x94: {  	_ =	swait.ge [sflag:s10], $0xFA00;
	(pc) =	sbr.rel @!p0 .LBB2_2-.Ltmp0, $4  }
0x95: {  	[sflag:s10] =	ssyncset.done $0x0  }
0x96: {  	[sflag:s10] =	ssyncadd.s32 $0xFFFF0600  }
0x97: {  	_ =	swait.ge [sflag:s12], $0xFA00  }
0x98: {  	s1 =	sadd.s32 $0xFFFFFFFF, s0;
	[sflag:s12] =	ssyncset.done $0x0  }
.LBB2_1:
0x99: {  	s0 =	rddreg [dreg:$0x3];
	[sflag:s12] =	ssyncadd.s32 $0xFFFF0600  }
0x9a: {  	[tilespmem:s2], [sflag:$0x5] =	stream.linear.gather [hbm4b:s0+s2], $0x400, $0x38;
	[tilespmem:$0x1F800] =	vst v63  }
0x9b: {  	_ =	swait.ge [sflag:s3], $0x400  }
0x9c: {  	[sflag:s3] =	ssyncset.done $0x0  }
0x9d: {  	[sflag:s3] =	ssyncadd.s32 $0xFFFFFC00  }
0x9e: {  	[tilespmem:s6], [sflag:$0x1] =	stream.indirect.gather [hbm4b:s4+s5], $0x3E8, s2, s5, $0xb8;
	[tilespmem:$0x1F800] =	vst v63  }
0x9f: {  	_ =	swait.ge [sflag:s7], $0xFA00  }
0xa0: {  	[sflag:s7] =	ssyncset.done $0x0  }
0xa1: {  	s0 =	rddreg [dreg:$0x4];
	[sflag:s7] =	ssyncadd.s32 $0xFFFF0600  }
0xa2: {  	[hbm4b:s0+s2] =	stream.linear.scatter [tilespmem:s6], [sflag:$0x3], $0xFA00, $0x38;
	[tilespmem:$0x1F800] =	vst v63  }
0xa3: {  	_ = 	snop  }
0xa4: {  	[tilespmem:s8], [sflag:$0x2] =	stream.indirect.gather [hbm4b:s4+s5], $0x3E8, s5, s5, $0xb8;
	[tilespmem:$0x1F800] =	vst v63  }
0xa5: {  	_ =	swait.ge [sflag:s9], $0xFA00  }
0xa6: {  	[sflag:s9] =	ssyncset.done $0x0  }
0xa7: {  	s0 =	rddreg [dreg:$0x5];
	[sflag:s9] =	ssyncadd.s32 $0xFFFF0600  }
0xa8: {  	[hbm4b:s0+s2] =	stream.linear.scatter [tilespmem:s8], [sflag:$0x4], $0xFA00, $0x38;
	[tilespmem:$0x1F800] =	vst v63  }
0xa9: {  	_ =	swait.ge [sflag:s10], $0xFA00  }
0xaa: {  	[sflag:s10] =	ssyncset.done $0x0  }
0xab: {  	[sflag:s10] =	ssyncadd.s32 $0xFFFF0600  }
0xac: {  	[tilespmem:s6], [sflag:$0x1] =	stream.indirect.gather [hbm4b:s4+s5], $0x3E8, s11, s5, $0xb8;
	[tilespmem:$0x1F800] =	vst v63  }
0xad: {  	_ =	swait.ge [sflag:s7], $0xFA00  }
0xae: {  	[sflag:s7] =	ssyncset.done $0x0  }
0xaf: {  	s0 =	rddreg [dreg:$0x6];
	[sflag:s7] =	ssyncadd.s32 $0xFFFF0600  }
0xb0: {  	[hbm4b:s0+s2] =	stream.linear.scatter [tilespmem:s6], [sflag:$0x3], $0xFA00, $0x38;
	[tilespmem:$0x1F800] =	vst v63  }
0xb1: {  	_ =	swait.ge [sflag:s12], $0xFA00  }
0xb2: {  	[sflag:s12] =	ssyncset.done $0x0  }
0xb3: {  	[sflag:s12] =	ssyncadd.s32 $0xFFFF0600  }
0xb4: {  	[tilespmem:s8], [sflag:$0x2] =	stream.indirect.gather [hbm4b:s4+s5], $0x3E8, s13, s5, $0xb8;
	[tilespmem:$0x1F800] =	vst v63  }
0xb5: {  	_ =	swait.ge [sflag:s9], $0xFA00  }
0xb6: {  	[sflag:s9] =	ssyncset.done $0x0  }
0xb7: {  	s0 =	rddreg [dreg:$0x7];
	[sflag:s9] =	ssyncadd.s32 $0xFFFF0600  }
0xb8: {  	[hbm4b:s0+s2] =	stream.linear.scatter [tilespmem:s8], [sflag:$0x4], $0xFA00, $0x38;
	[tilespmem:$0x1F800] =	vst v63  }
0xb9: {  	_ =	swait.ge [sflag:s10], $0xFA00  }
0xba: {  	[sflag:s10] =	ssyncset.done $0x0  }
0xbb: {  	[sflag:s10] =	ssyncadd.s32 $0xFFFF0600  }
0xbc: {  	[tilespmem:s6], [sflag:$0x1] =	stream.indirect.gather [hbm4b:s4+s5], $0x3E8, s14, s5, $0xb8;
	[tilespmem:$0x1F800] =	vst v63  }
0xbd: {  	_ =	swait.ge [sflag:s7], $0xFA00  }
0xbe: {  	[sflag:s7] =	ssyncset.done $0x0  }
0xbf: {  	s0 =	rddreg [dreg:$0x8];
	[sflag:s7] =	ssyncadd.s32 $0xFFFF0600  }
0xc0: {  	[hbm4b:s0+s2] =	stream.linear.scatter [tilespmem:s6], [sflag:$0x3], $0xFA00, $0x38;
	[tilespmem:$0x1F800] =	vst v63  }
0xc1: {  	_ =	swait.ge [sflag:s12], $0xFA00  }
0xc2: {  	[sflag:s12] =	ssyncset.done $0x0  }
0xc3: {  	[sflag:s12] =	ssyncadd.s32 $0xFFFF0600  }
0xc4: {  	[tilespmem:s8], [sflag:$0x2] =	stream.indirect.gather [hbm4b:s4+s5], $0x3E8, s15, s5, $0xb8;
	[tilespmem:$0x1F800] =	vst v63  }
0xc5: {  	_ =	swait.ge [sflag:s9], $0xFA00  }
0xc6: {  	[sflag:s9] =	ssyncset.done $0x0  }
0xc7: {  	s0 =	rddreg [dreg:$0x9];
	[sflag:s9] =	ssyncadd.s32 $0xFFFF0600  }
0xc8: {  	[hbm4b:s0+s2] =	stream.linear.scatter [tilespmem:s8], [sflag:$0x4], $0xFA00, $0x38;
	[tilespmem:$0x1F800] =	vst v63  }
0xc9: {  	_ =	swait.ge [sflag:s10], $0xFA00  }
0xca: {  	[sflag:s10] =	ssyncset.done $0x0  }
0xcb: {  	[sflag:s10] =	ssyncadd.s32 $0xFFFF0600  }
0xcc: {  	[tilespmem:s6], [sflag:$0x1] =	stream.indirect.gather [hbm4b:s4+s5], $0x3E8, s16, s5, $0xb8;
	[tilespmem:$0x1F800] =	vst v63  }
0xcd: {  	_ =	swait.ge [sflag:s7], $0xFA00  }
0xce: {  	[sflag:s7] =	ssyncset.done $0x0  }
0xcf: {  	s0 =	rddreg [dreg:$0xa];
	[sflag:s7] =	ssyncadd.s32 $0xFFFF0600  }
0xd0: {  	[hbm4b:s0+s2] =	stream.linear.scatter [tilespmem:s6], [sflag:$0x3], $0xFA00, $0x38;
	[tilespmem:$0x1F800] =	vst v63  }
0xd1: {  	_ =	swait.ge [sflag:s12], $0xFA00  }
0xd2: {  	[sflag:s12] =	ssyncset.done $0x0  }
0xd3: {  	[sflag:s12] =	ssyncadd.s32 $0xFFFF0600  }
0xd4: {  	[tilespmem:s8], [sflag:$0x2] =	stream.indirect.gather [hbm4b:s4+s5], $0x3E8, s17, s5, $0xb8;
	[tilespmem:$0x1F800] =	vst v63  }
0xd5: {  	_ =	swait.ge [sflag:s9], $0xFA00  }
0xd6: {  	[sflag:s9] =	ssyncset.done $0x0  }
0xd7: {  	s0 =	rddreg [dreg:$0xb];
	[sflag:s9] =	ssyncadd.s32 $0xFFFF0600  }
0xd8: {  	[hbm4b:s0+s2] =	stream.linear.scatter [tilespmem:s8], [sflag:$0x4], $0xFA00, $0x38;
	[tilespmem:$0x1F800] =	vst v63  }
0xd9: {  	_ =	swait.ge [sflag:s10], $0xFA00  }
0xda: {  	[sflag:s10] =	ssyncset.done $0x0  }
0xdb: {  	[sflag:s10] =	ssyncadd.s32 $0xFFFF0600  }
0xdc: {  	[tilespmem:s6], [sflag:$0x1] =	stream.indirect.gather [hbm4b:s4+s5], $0x3E8, s18, s5, $0xb8;
	[tilespmem:$0x1F800] =	vst v63  }
0xdd: {  	_ =	swait.ge [sflag:s7], $0xFA00  }
0xde: {  	[sflag:s7] =	ssyncset.done $0x0  }
0xdf: {  	s0 =	rddreg [dreg:$0xc];
	[sflag:s7] =	ssyncadd.s32 $0xFFFF0600  }
0xe0: {  	[hbm4b:s0+s2] =	stream.linear.scatter [tilespmem:s6], [sflag:$0x3], $0xFA00, $0x38;
	[tilespmem:$0x1F800] =	vst v63  }
0xe1: {  	_ =	swait.ge [sflag:s12], $0xFA00  }
0xe2: {  	[sflag:s12] =	ssyncset.done $0x0  }
0xe3: {  	[sflag:s12] =	ssyncadd.s32 $0xFFFF0600  }
0xe4: {  	[tilespmem:s8], [sflag:$0x2] =	stream.indirect.gather [hbm4b:s4+s5], $0x3E8, s19, s5, $0xb8;
	[tilespmem:$0x1F800] =	vst v63  }
0xe5: {  	_ =	swait.ge [sflag:s9], $0xFA00  }
0xe6: {  	[sflag:s9] =	ssyncset.done $0x0  }
0xe7: {  	s0 =	rddreg [dreg:$0xd];
	[sflag:s9] =	ssyncadd.s32 $0xFFFF0600  }
0xe8: {  	[hbm4b:s0+s2] =	stream.linear.scatter [tilespmem:s8], [sflag:$0x4], $0xFA00, $0x38;
	[tilespmem:$0x1F800] =	vst v63  }
0xe9: {  	_ =	swait.ge [sflag:s10], $0xFA00  }
0xea: {  	[sflag:s10] =	ssyncset.done $0x0  }
0xeb: {  	[sflag:s10] =	ssyncadd.s32 $0xFFFF0600  }
0xec: {  	[tilespmem:s6], [sflag:$0x1] =	stream.indirect.gather [hbm4b:s4+s5], $0x3E8, s20, s5, $0xb8;
	[tilespmem:$0x1F800] =	vst v63  }
0xed: {  	_ =	swait.ge [sflag:s7], $0xFA00  }
0xee: {  	[sflag:s7] =	ssyncset.done $0x0  }
0xef: {  	s0 =	rddreg [dreg:$0xe];
	[sflag:s7] =	ssyncadd.s32 $0xFFFF0600  }
0xf0: {  	[hbm4b:s0+s2] =	stream.linear.scatter [tilespmem:s6], [sflag:$0x3], $0xFA00, $0x38;
	[tilespmem:$0x1F800] =	vst v63  }
0xf1: {  	_ =	swait.ge [sflag:s12], $0xFA00  }
0xf2: {  	[sflag:s12] =	ssyncset.done $0x0  }
0xf3: {  	[sflag:s12] =	ssyncadd.s32 $0xFFFF0600  }
0xf4: {  	[tilespmem:s8], [sflag:$0x2] =	stream.indirect.gather [hbm4b:s4+s5], $0x3E8, s21, s5, $0xb8;
	[tilespmem:$0x1F800] =	vst v63  }
0xf5: {  	_ =	swait.ge [sflag:s9], $0xFA00  }
0xf6: {  	[sflag:s9] =	ssyncset.done $0x0  }
0xf7: {  	[sflag:s9] =	ssyncadd.s32 $0xFFFF0600  }
0xf8: {  	[hbm4b:s22+s2] =	stream.linear.scatter [tilespmem:s8], [sflag:$0x4], $0xFA00, $0x38;
	[tilespmem:$0x1F800] =	vst v63  }
0xf9: {  	_ =	swait.ge [sflag:s10], $0xFA00  }
0xfa: {  	[sflag:s10] =	ssyncset.done $0x0  }
0xfb: {  	[sflag:s10] =	ssyncadd.s32 $0xFFFF0600  }
0xfc: {  	[tilespmem:s6], [sflag:$0x1] =	stream.indirect.gather [hbm4b:s4+s5], $0x3E8, s23, s5, $0xb8;
	[tilespmem:$0x1F800] =	vst v63  }
0xfd: {  	_ =	swait.ge [sflag:s7], $0xFA00  }
0xfe: {  	[sflag:s7] =	ssyncset.done $0x0  }
0xff: {  	[sflag:s7] =	ssyncadd.s32 $0xFFFF0600  }
0x100: {  	[hbm4b:s24+s2] =	stream.linear.scatter [tilespmem:s6], [sflag:$0x3], $0xFA00, $0x38;
	[tilespmem:$0x1F800] =	vst v63  }
0x101: {  	_ =	swait.ge [sflag:s12], $0xFA00  }
0x102: {  	[sflag:s12] =	ssyncset.done $0x0  }
0x103: {  	[sflag:s12] =	ssyncadd.s32 $0xFFFF0600  }
0x104: {  	[tilespmem:s8], [sflag:$0x2] =	stream.indirect.gather [hbm4b:s4+s5], $0x3E8, s25, s5, $0xb8;
	[tilespmem:$0x1F800] =	vst v63  }
0x105: {  	_ =	swait.ge [sflag:s9], $0xFA00  }
0x106: {  	[sflag:s9] =	ssyncset.done $0x0  }
0x107: {  	[sflag:s9] =	ssyncadd.s32 $0xFFFF0600  }
0x108: {  	[hbm4b:s26+s2] =	stream.linear.scatter [tilespmem:s8], [sflag:$0x4], $0xFA00, $0x38;
	[tilespmem:$0x1F800] =	vst v63  }
0x109: {  	_ =	swait.ge [sflag:s10], $0xFA00  }
0x10a: {  	[sflag:s10] =	ssyncset.done $0x0  }
0x10b: {  	[sflag:s10] =	ssyncadd.s32 $0xFFFF0600  }
0x10c: {  	[tilespmem:s6], [sflag:$0x1] =	stream.indirect.gather [hbm4b:s4+s5], $0x3E8, s28, s5, $0xb8;
	[tilespmem:$0x1F800] =	vst v63  }
0x10d: {  	_ =	swait.ge [sflag:s7], $0xFA00  }
0x10e: {  	[sflag:s7] =	ssyncset.done $0x0  }
0x10f: {  	[sflag:s7] =	ssyncadd.s32 $0xFFFF0600  }
0x110: {  	[hbm4b:s29+s2] =	stream.linear.scatter [tilespmem:s6], [sflag:$0x3], $0xFA00, $0x38;
	[tilespmem:$0x1F800] =	vst v63  }
0x111: {  	_ =	swait.ge [sflag:s12], $0xFA00  }
0x112: {  	[sflag:s12] =	ssyncset.done $0x0  }
0x113: {  	[sflag:s12] =	ssyncadd.s32 $0xFFFF0600  }
0x114: {  	[tilespmem:s8], [sflag:$0x2] =	stream.indirect.gather [hbm4b:s4+s5], $0x3E8, s30, s5, $0xb8;
	[tilespmem:$0x1F800] =	vst v63  }
0x115: {  	_ =	swait.ge [sflag:s9], $0xFA00  }
0x116: {  	[sflag:s9] =	ssyncset.done $0x0  }
0x117: {  	p0 =	sne.s32 s1, $0x1;
	[sflag:s9] =	ssyncadd.s32 $0xFFFF0600  }
0x118: {  	[hbm4b:s31+s2] =	stream.linear.scatter [tilespmem:s8], [sflag:$0x4], $0xFA00, $0x38;
	[tilespmem:$0x1F800] =	vst v63  }
.Ltmp1:
0x119: {  	_ =	swait.ge [sflag:s10], $0xFA00;
	(pc) =	sbr.rel @p0 .LBB2_1-.Ltmp1, $4  }
0x11a: {  	[sflag:s10] =	ssyncset.done $0x0  }
0x11b: {  	[sflag:s10] =	ssyncadd.s32 $0xFFFF0600  }
0x11c: {  	_ =	swait.ge [sflag:s12], $0xFA00  }
0x11d: {  	s1 =	sadd.s32 $0xFFFFFFFF, s1;
	[sflag:s12] =	ssyncset.done $0x0  }
.LBB2_2:
0x11e: {  	[sflag:s12] =	ssyncadd.s32 $0xFFFF0600  }
0x11f: {  	_ =	sfence.sel $0x180000  }
0x120: {  	[bflag:$0x0] =	sbarrier.arrive $0xFFFF  }
0x121: {  	_ =	strace $0x90000047  }
0x122: {  	s0 =	stileid.u32;
	[bflag:$0x2] =	sbarrier.arrive $0xFFFF  }
0x123: {  	p0 =	sne.s32 s0, $0x0;
	s0 =	rddreg [dreg:$0x2]  }
0x124: {  	s0 =	sadd.s32 @!p0 $0x100000, s0  }
0x125: {  	[sflag:s0] =	ssyncadd.tile.s32 @!p0 $0x1;
	_ =	shalt  }
.Lfunc_end2:
_tile_overlayer_lowered:
.L_overlay_start_2:
0x126: {  	(tag) =	ssettag $0x2  }
0x127: {  	s0 =	rddreg [dreg:$0x0];
	s2 =	stileid.u32  }
0x128: {  	s1 =	rddreg [dreg:$0x1];
	p0 =	sne.s32 s2, $0x0  }
0x129: {  	s3 =	rddreg [dreg:$0x2];
	[bflag:$0x3] =	sbarrier.arrive $0xFFFF;
	s2 =	simm.s32 @!p0 $0x1C05  }
0x12a: {  	[timem:s3], [sflag:s2] =	dma.local @!p0 [hbm:s0], s1  }
0x12b: {  	s0 =	simm.s32 @!p0 $0x5  }
0x12c: {  	_ =	swait.ge @!p0 [sflag:s0], s1  }
0x12d: {  	s1 =	ssub.s32 @!p0 $0x0, s1;
	[sflag:s0] =	ssyncset.done @!p0 $0x0  }
0x12e: {  	[sflag:s0] =	ssyncadd.s32 @!p0 s1  }
0x12f: {  	[bflag:$0x3] =	sbarrier.arrive $0xFFFF  }
0x130: {  	_ =	shalt  }

// kernel: sparse-core-data-format-call.cloned.1.call-start
scs
called_computation_lowered:
.L_overlay_start_0:
0x0: {  	s2 =	sld [smem:$0x3FD9]  }
0x1: {  	s3 =	sld [smem:$0x3FFE];
	_ =	sdelay $0x1  }
0x2: {  	s1 =	srdreg.scid  }
0x3: {  	s0 =	sand.u32 $0x1, s1  }
0x4: {  	s18 =	sshll.u32 s0, $0xA;
	s2 =	sadd.s32 s3, s2  }
0x5: {  	s2 =	sadd.s32 s2, s18  }
0x6: {  	[smem:$0x3FC6] =	sst s2  }
0x7: {  	_ = 	snop  }
0x8: {  	s2 =	sld [smem:$0x3FD0];
	(tm) =	ssettm $0x1  }
0x9: {  	s19 =	sld [smem:$0x3FFB];
	_ =	sdelay $0x3  }
0xa: {  	_ =	strace s19  }
0xb: {  	s3 =	sld [smem:$0x3FFC];
	_ =	sdelay $0x3  }
0xc: {  	_ =	strace s3  }
0xd: {  	s3 =	sld [smem:$0x3FFD];
	_ =	sdelay $0x3  }
0xe: {  	_ =	strace s3  }
0xf: {  	_ =	strace $0x8FFFFFFF  }
0x10: {  	s20 =	sld [smem:$0x3FDB];
	_ =	sdelay $0x1  }
0x11: {  	s4 =	simm.s32 $_scs_section_size  }
0x12: {  	s5 =	simm.s32 $_size__tile_overlayer_lowered;
	s6 =	simm.s32 $_tile_overlayer_lowered  }
0x13: {  	s23 =	simm.s32 $0x1BFF;
	s22 =	sshll.u32 s6, $0x1;
	s3 =	sadd.s32 s4, s20  }
0x14: {  	s7 =	simm.s32 $0x0;
	s21 =	sshll.u32 s5, $0x1;
	s5 =	sadd.s32 s22, s3  }
0x15: {  	[timem:s7], [sflag:s23] =	dma.local [hbm:s5], s21  }
0x16: {  	_ =	swait.ge [sflag:s23], s21  }
0x17: {  	s4 =	ssub.s32 $0x0, s21;
	[sflag:s23] =	ssyncset.done $0x0  }
0x18: {  	[sflag:s23] =	ssyncadd.s32 s4;
	_ =	sdelay $0x1  }
0x19: {  	s24 =	simm.s32 $0x1B8B  }
0x1a: {  	_ =	swait.ge [sflag:s24], $0x1  }
0x1b: {  	[sflag:s24] =	ssyncset.done $0x0  }
0x1c: {  	s26 =	simm.s32 $0x1B8E;
	s25 =	sld [smem:$0x3FFE];
	[sflag:s24] =	ssyncadd.s32 $0xFFFFFFFF  }
0x1d: {  	s27 =	simm.s32 $execute0_lowered;
	[smem:$0x3FD2] =	sst s26  }
0x1e: {  	s5 =	sshll.u32 s27, $0x1;
	_ =	strace $0x80000049;
	[dreg:$0x1] =	wrdreg $0xFFFFFFFF  }
0x1f: {  	s28 =	simm.s32 $_size_execute0_lowered;
	s3 =	sadd.s32 s3, s5;
	[dreg:$0x0] =	wrdreg $0x0  }
0x20: {  	s5 =	sshll.u32 s28, $0x1;
	[dreg:$0x2] =	wrdreg s3  }
0x21: {  	[dreg:$0x3] =	wrdreg s5  }
0x22: {  	[dreg:$0x4] =	wrdreg $0xC0  }
0x23: {  	_ =	task [dreg:s7], $0x5FFFF  }
0x24: {  	[dreg:$0x1] =	wrdreg $0xFFFFFFFF  }
0x25: {  	[dreg:$0x0] =	wrdreg $0x60  }
0x26: {  	[dreg:$0x2] =	wrdreg s25  }
0x27: {  	[dreg:$0x3] =	wrdreg s2  }
0x28: {  	[dreg:$0x4] =	wrdreg $0x9  }
0x29: {  	_ =	task.clear_ibuf [dreg:s7], $0x5FFFF;
	_ =	strace $0x90000049  }
0x2a: {  	s29 =	simm.s32 $0x9;
	_ =	strace $0x8000004B  }
0x2b: {  	_ =	swait.ge [sflag:s29], $0x1  }
0x2c: {  	[sflag:s29] =	ssyncadd.s32 $0xFFFFFFFF  }
0x2d: {  	_ =	strace $0x9000004B  }
0x2e: {  	_ =	sfence  }
0x2f: {  	s30 =	sld [smem:$0x0];
	_ =	sdelay $0x2  }
0x30: {  	s31 =	sshll.u32 s1, $0xD;
	s1 =	sshrl.u32 s1, $0x2  }
0x31: {  	s3 =	sand.u32 $0x4000, s31;
	s1 =	sadd.s32 s1, s30  }
0x32: {  	s0 =	sor.u32 s3, s0;
	s1 =	sshll.u32 s1, $0x11  }
0x33: {  	s0 =	sor.u32 s1, s0  }
0x34: {  	s0 =	sadd.s32 $0x8F2B, s0  }
0x35: {  	[sflag:s0] =	ssyncadd.remote.s32 $0x1  }
0x36: {  	_ =	sfence.sel $0xFFFF  }
0x37: {  	[dreg:$0x0] =	wrdreg $0xFFFFFFFF;
	(pc) =	sbr.abs _section_cstart, $3  }
0x38: {  	[dreg:$0x1] =	wrdreg $0xFFFFFFFF  }
0x39: {  	_ =	task.clear_ibuf [dreg:s7], $0x2FFFF;
	_ =	strace $0x9FFFFFFF  }
0x3a: {  	(tm) =	ssettm $0x7FFFFFFF  }
0x3b: {  	_ =	shalt  }
tec
execute0_lowered:
.L_overlay_start_1:
0x0: {  	(tag) =	ssettag $0x1  }
0x1: {  	s5 =	rddreg [dreg:$0x0]  }
0x2: {  	s0 =	srdreg.scid;
	s3 =	rddreg [dreg:$0x1];
	s7 =	simm.s32 $0x1  }
0x3: {  	s8 =	simm.s32 $0x2;
	s16 =	simm.s32 $0x0;
	s1 =	sshll.u32 s0, $0x4  }
0x4: {  	s18 =	simm.s32 $0x0;
	s0 =	stileid.u32;
	s1 =	sand.u32 $0x10, s1  }
0x5: {  	s17 =	simm.s32 $0x0;
	s9 =	simm.s32 $0x0;
	s1 =	sor.u32 s0, s1  }
0x6: {  	s10 =	simm.s32 $0x0;
	s11 =	simm.s32 $0x0;
	s2 =	sshll.u32 s1, $0x7  }
0x7: {  	s12 =	simm.s32 $0x0;
	s13 =	simm.s32 $0x0;
	s6 =	ssub.s32 $0x1000, s2  }
0x8: {  	s15 =	simm.s32 $0x0;
	s5 =	sadd.s32 $0x800, s5;
	s4 =	sand.u32 $0xF80, s6  }
.Ltmp0:
0x9: {  	s1 =	rddreg [dreg:$0x2];
	p0 =	sne.s32 s4, $0x0;
	(pc) =	sbr.rel .LBB1_1-.Ltmp0, $4  }
0xa: {  	_ =	strace $0x8000004A;
	s6 =	sshrl.u32 s6, $0xC;
	s7 =	simm.s32 @!p0 $0x0  }
0xb: {  	s14 =	smov.u32 s2;
	s4 =	simm.s32 $0x1;
	s6 =	sadd.s32 s7, s6  }
0xc: {  	[sflag:s4] =	ssyncpa.u1 $0x0;
	p0 =	por $0x0, $0x0;
	s6 =	sshll.u32 s6, $0x6  }
0xd: {  	[sflag:s8] =	ssyncpa.u1 $0x0;
	s8 =	simm.s32 $0x8000;
	s7 =	sor.u32 $0x1, s6  }
.LBB1_4:
0xe: {  	s23 =	sshra.s32 s23, $0x2;
	s30 =	sshll.u32 s9, $0xC  }
0xf: {  	p1 =	sgt.s32 s10, $0x7;
	s24 =	smov.u32 s10;
	s25 =	sshra.s32 s10, $0x1F  }
0x10: {  	s26 =	sshll.u32 s11, $0x3;
	s28 =	smov.u32 s11;
	s29 =	sshra.s32 s11, $0x1F  }
0x11: {  	s22 =	sadd.s32 s23, s22;
	s24 =	simm.s32 @!p1 $0x7;
	s25 =	sand.u32 s25, s10  }
0x12: {  	s23 =	sand.u32 $0xFFFF8000, s30;
	s27 =	sand.u32 $0xFFFFFC00, s26;
	p1 =	sgt.s32 s9, $0x368  }
0x13: {  	s31 =	sand.u32 s29, s11;
	s29 =	sshll.u32 s9, $0x7;
	s30 =	sshra.s32 s9, $0x1F  }
0x14: {  	[tilespmem:s21+$0x2040 ss:$0x81] =	vst.msk $0xffff, v4;
	s24 =	ssub.s32 s24, s25;
	s23 =	sadd.s32 s27, s23;
	s27 =	smov.u32 s9  }
0x15: {  	[tilespmem:s21+$0x2850 ss:$0x81] =	vst.msk $0xffff, v3;
	s29 =	sand.u32 $0x380, s29;
	s25 =	sadd.s32 $0xFFFFFFF9, s24;
	s27 =	simm.s32 @!p1 $0x368  }
0x16: {  	v5 =	vld [tilespmem:s20+$0xFFFFFFD0];
	[tilespmem:s21+$0x3060 ss:$0x81] =	vst.msk $0xffff, v2;
	p1 =	sgt.s32 s11, $0xF80;
	s23 =	sshrl.u32 s23, $0xC;
	s24 =	ssub.s32 $0x8, s24  }
0x17: {  	v58 =	vld [tilespmem:s20+$0xFFFFFFE0];
	[tilespmem:s21+$0x0 ss:$0x81] =	vst.msk $0xffff, v1;
	s28 =	simm.s32 @!p1 $0xF80;
	p1 =	sgt.s32 s25, $0x0;
	s21 =	smulhi.u32 $0x418938, s23  }
0x18: {  	v59 =	vld [tilespmem:s20+$0xFFFFFFF0];
	s25 =	ssub.s32 s28, s31;
	s28 =	sand.u32 s30, s9;
	s24 =	simm.s32 @p1 $0x0  }
0x19: {  	v60 =	vld [tilespmem:s20+$0x0];
	s27 =	ssub.s32 s27, s28;
	s31 =	sadd.s32 $0xFFFFF080, s25;
	s25 =	ssub.s32 $0x1000, s25  }
0x1a: {  	v61 =	vld [tilespmem:s20+$0x10];
	[tilespmem:s22+$0x3870 ss:$0x81] =	vst.msk $0xffff, v0;
	s21 =	smul.u32 $0x3E8, s21;
	s28 =	sand.u32 $0x7, s11;
	p1 =	sgt.s32 s31, $0x7F  }
0x1b: {  	v62 =	vld [tilespmem:s20+$0x20];
	[tilespmem:s22+$0x810 ss:$0x81] =	vst.msk $0xffff, v5;
	s30 =	sadd.s32 $0xFFFFFC98, s27;
	s31 =	sand.u32 $0x78, s11;
	s25 =	simm.s32 @p1 $0x0  }
0x1c: {  	v63 =	vld [tilespmem:s20+$0xFFFFFFC0];
	[tilespmem:s22+$0x1020 ss:$0x81] =	vst.msk $0xffff, v58;
	p1 =	sgt.s32 s30, $0x7F;
	s30 =	sand.u32 $0xC00, s26;
	s24 =	smul.u32 s25, s24  }
0x1d: {  	[tilespmem:s22+$0x1830 ss:$0x81] =	vst.msk $0xffff, v59;
	s26 =	ssub.s32 $0x3E8, s27;
	s20 =	sor.u32 s31, s30;
	s31 =	smul.u32 $0x7D000, s10  }
0x1e: {  	[tilespmem:s22+$0x2040 ss:$0x81] =	vst.msk $0xffff, v60;
	s21 =	ssub.s32 s23, s21;
	s26 =	simm.s32 @p1 $0x0;
	s20 =	sor.u32 s29, s20  }
0x1f: {  	[tilespmem:s22+$0x2850 ss:$0x81] =	vst.msk $0xffff, v61;
	s26 =	smul.u32 s26, s24;
	s20 =	sshrl.u32 s20, $0x3;
	s27 =	sadd.s32 s3, s31  }
0x20: {  	[tilespmem:s22+$0x3060 ss:$0x81] =	vst.msk $0xffff, v62;
	s21 =	sshll.u32 s21, $0x9;
	s29 =	sshll.u32 s28, $0x12;
	s20 =	sadd.s32 s20, s27  }
0x21: {  	[tilespmem:s22+$0x0 ss:$0x81] =	vst.msk $0xffff, v63;
	s31 =	sor.u32 $0x400, s29;
	s30 =	sand.u32 $0x3FFFFFFF, s26;
	s20 =	sadd.s32 s21, s20  }
0x22: {  	[hbm4b:s20+s31] =	stream.strided.scatter [tilespmem:s19], [sflag:$0x2], s30, s8, s31, $0x20;
	[tilespmem:$0x10100] =	vst v63  }
.LBB1_5:
0x23: {  	p1 =	slt.u32 s15, $0x2  }
0x24: {  	p2 =	sgt.s32 @!p1 s18, $0x7  }
0x25: {  	s19 =	smov.u32 s18;
	s20 =	sshra.s32 @!p1 s18, $0x1F;
	p2 =	por !p2, p1  }
0x26: {  	s18 =	sand.u32 @!p1 s20, s18;
	s19 =	simm.s32 @p2 $0x7  }
0x27: {  	p3 =	sgt.s32 @!p1 s16, $0x368;
	s18 =	ssub.s32 @!p1 s19, s18  }
0x28: {  	p4 =	sgt.s32 @!p1 s17, $0xF80;
	s21 =	sshra.s32 @!p1 s17, $0x1F;
	s19 =	sadd.s32 @!p1 $0xFFFFFFF9, s18  }
0x29: {  	s20 =	smov.u32 s16;
	p2 =	sgt.s32 @!p1 s19, $0x0;
	s19 =	sshra.s32 @!p1 s16, $0x1F  }
0x2a: {  	p4 =	por !p4, p1;
	s16 =	sand.u32 @!p1 s19, s16;
	s19 =	smov.u32 s17  }
0x2b: {  	p3 =	por !p3, p1;
	s17 =	sand.u32 @!p1 s21, s17;
	s19 =	simm.s32 @p4 $0xF80  }
0x2c: {  	s20 =	simm.s32 @p3 $0x368;
	s18 =	ssub.s32 @!p1 $0x8, s18;
	s17 =	ssub.s32 @!p1 s19, s17  }
0x2d: {  	p2 =	por !p2, p1;
	s16 =	ssub.s32 @!p1 s20, s16;
	s20 =	sadd.s32 @!p1 $0xFFFFF080, s17  }
0x2e: {  	s18 =	simm.s32 @!p2 $0x0;
	p3 =	sgt.s32 @!p1 s20, $0x7F  }
0x2f: {  	s19 =	sadd.s32 @!p1 $0xFFFFFC98, s16;
	s17 =	ssub.s32 @!p1 $0x1000, s17;
	p3 =	por !p3, p1  }
0x30: {  	p2 =	sgt.s32 @!p1 s19, $0x7F;
	s19 =	sadd.s32 $0x80, s12;
	s17 =	simm.s32 @!p3 $0x0  }
0x31: {  	p3 =	sgt.s32 s19, $0x3E7;
	s17 =	smul.u32 @!p1 s17, s18;
	s18 =	simm.s32 $0x1  }
0x32: {  	s16 =	ssub.s32 @!p1 $0x3E8, s16;
	p2 =	por !p2, p1;
	s18 =	simm.s32 @!p3 $0x0  }
0x33: {  	s21 =	smov.u32 s14;
	s16 =	simm.s32 @!p2 $0x0;
	s20 =	sadd.s32 s18, s13  }
0x34: {  	s16 =	smul.u32 @!p1 s16, s17;
	s17 =	sadd.s32 $0x1000, s14;
	p2 =	sgt.s32 s20, $0x7  }
0x35: {  	p0 =	por !p0, !p0;
	s22 =	simm.s32 @!p1 $0x2;
	s21 =	smov.u32 @p2 s17  }
0x36: {  	s19 =	simm.s32 @p3 $0x0;
	s20 =	simm.s32 @p2 $0x0;
	p2 =	sgt.s32 s21, $0xFFF  }
0x37: {  	s18 =	smov.u32 s10;
	s21 =	smov.u32 @p2 s2;
	p2 =	sne.s32 s15, s7  }
.Ltmp1:
0x38: {  	s10 =	smov.u32 s13;
	s16 =	sand.u32 @!p1 $0x3FFFFFFF, s16;
	(pc) =	sbr.rel @!p2 .LBB1_6-.Ltmp1, $4  }
0x39: {  	s17 =	smov.u32 s11;
	s11 =	smov.u32 s14;
	_ =	swait.ge @!p1 [sflag:s22], s16  }
0x3a: {  	s23 =	ssub.s32 @!p1 $0x0, s16;
	s16 =	smov.u32 s9;
	s9 =	smov.u32 s12  }
0x3b: {  	s12 =	smov.u32 s19;
	s13 =	smov.u32 s20;
	[sflag:s22] =	ssyncset.done @!p1 $0x0  }
0x3c: {  	s15 =	sadd.s32 $0x1, s15;
	[sflag:s22] =	ssyncadd.s32 @!p1 s23;
	s14 =	smov.u32 s21  }
.LBB1_1:
0x3d: {  	p1 =	sge.u32 s15, s6  }
0x3e: {  	s31 =	sadd.s32 $0xFFFFFFFF, s15;
	s19 =	sxor.u32 @!p1 $0xFFFFFFFF, s15;
	s20 =	sshll.u32 @!p1 s13, $0x7  }
0x3f: {  	s21 =	sand.u32 @!p1 $0x78, s12;
	s22 =	sshll.u32 @!p1 s14, $0xA;
	s20 =	sand.u32 @!p1 $0x380, s20  }
0x40: {  	s22 =	sadd.s32 @!p1 s5, s22;
	s20 =	sor.u32 @!p1 s21, s20;
	s21 =	sand.u32 @!p1 $0x380, s12  }
0x41: {  	s19 =	sshll.u32 @!p1 s19, $0xE;
	s21 =	sadd.s32 @!p1 s21, s22;
	s22 =	sand.u32 @!p1 $0x7, s12  }
0x42: {  	s19 =	sand.u32 @!p1 $0x4000, s19;
	s20 =	sshrl.u32 @!p1 s20, $0x3;
	s22 =	sshll.u32 @!p1 s22, $0x12  }
0x43: {  	s20 =	sadd.s32 @!p1 s20, s21;
	s21 =	sor.u32 @!p1 $0x80, s22;
	s22 =	simm.s32 @!p1 $0x2000  }
0x44: {  	[tilespmem:s19], [sflag:$0x1] =	stream.strided.gather @!p1 [hbm4b:s20+s21], $0x4000, s22, s21, $0x38;
	[tilespmem:$0x10100] =	vst v63  }
0x45: {  	p1 =	sge.u32 s31, s6  }
.Ltmp2:
0x46: {  	_ = 	snop;
	(pc) =	sbr.rel @p1 .LBB1_5-.Ltmp2, $1  }
0x47: {  	_ =	sdelay $0x3  }
0x48: {  	s19 =	simm.s32 $0x1  }
0x49: {  	_ =	swait.ge [sflag:s4], $0x4000;
	s19 =	simm.s32 @!p0 $0x0  }
0x4a: {  	[sflag:s4] =	ssyncset.done $0x0;
	s20 =	sshll.u32 s19, $0xE  }
0x4b: {  	[sflag:s4] =	ssyncadd.s32 $0xFFFFC000;
	s20 =	sor.u32 $0x40, s20  }
0x4c: {  	s19 =	smul.u32 $0x10200, s19;
	v0 =	vld [tilespmem:s20+$0x30]  }
0x4d: {  	v1 =	vld [tilespmem:s20+$0xFFFFFFD0]  }
0x4e: {  	s19 =	sshrl.u32 s19, $0x2;
	v5 =	vld [tilespmem:s20+$0xFFFFFFE0]  }
0x4f: {  	v6 =	vld [tilespmem:s20+$0xFFFFFFF0];
	s22 =	sor.u32 $0x8000, s19  }
0x50: {  	s31 =	sand.u32 $0x1, s15;
	v4 =	vld [tilespmem:s20+$0x0];
	s21 =	sadd.s32 $0x0, s22  }
0x51: {  	v3 =	vld [tilespmem:s20+$0x10];
	s19 =	smul.u32 $0x10200, s31;
	[tilespmem:s21+$0x3870 ss:$0x81] =	vst.msk $0xffff, v0  }
0x52: {  	v2 =	vld [tilespmem:s20+$0x20];
	[tilespmem:s21+$0x810 ss:$0x81] =	vst.msk $0xffff, v1  }
0x53: {  	s19 =	sshrl.u32 s19, $0x2;
	v1 =	vld [tilespmem:s20+$0xFFFFFFC0];
	[tilespmem:s21+$0x1020 ss:$0x81] =	vst.msk $0xffff, v5;
	s20 =	sadd.s32 $0x80, s20  }
0x54: {  	s23 =	simm.s32 $0x4;
	s24 =	simm.s32 $0x8;
	s19 =	sor.u32 $0x8000, s19;
	[tilespmem:s21+$0x1830 ss:$0x81] =	vst.msk $0xffff, v6;
	v0 =	vld [tilespmem:s20+$0x30]  }
.LBB1_3:
0x55: {  	p1 =	sne.s32 s24, $0x1FC;
	v5 =	vld [tilespmem:s20+$0xFFFFFFD0];
	[tilespmem:s21+$0x2040 ss:$0x81] =	vst.msk $0xffff, v4  }
0x56: {  	v6 =	vld [tilespmem:s20+$0xFFFFFFE0];
	[tilespmem:s21+$0x2850 ss:$0x81] =	vst.msk $0xffff, v3  }
0x57: {  	s25 =	sshra.s32 s23, $0x2;
	s23 =	smov.u32 s24;
	v7 =	vld [tilespmem:s20+$0xFFFFFFF0];
	[tilespmem:s21+$0x3060 ss:$0x81] =	vst.msk $0xffff, v2  }
.Ltmp3:
0x58: {  	v4 =	vld [tilespmem:s20+$0x0];
	[tilespmem:s21+$0x0 ss:$0x81] =	vst.msk $0xffff, v1;
	s21 =	sadd.s32 s25, s22;
	(pc) =	sbr.rel @p1 .LBB1_3-.Ltmp3, $4  }
0x59: {  	v3 =	vld [tilespmem:s20+$0x10];
	[tilespmem:s21+$0x3870 ss:$0x81] =	vst.msk $0xffff, v0  }
0x5a: {  	[tilespmem:s21+$0x810 ss:$0x81] =	vst.msk $0xffff, v5;
	v2 =	vld [tilespmem:s20+$0x20]  }
0x5b: {  	v1 =	vld [tilespmem:s20+$0xFFFFFFC0];
	[tilespmem:s21+$0x1020 ss:$0x81] =	vst.msk $0xffff, v6;
	s20 =	sadd.s32 $0x80, s20  }
0x5c: {  	s24 =	sadd.s32 $0x4, s24;
	v0 =	vld [tilespmem:s20+$0x30];
	[tilespmem:s21+$0x1830 ss:$0x81] =	vst.msk $0xffff, v7  }
.Ltmp4:
0x5d: {  	_ = 	snop;
	(pc) =	sbr.rel .LBB1_4-.Ltmp4, $1  }
0x5e: {  	_ =	sdelay $0x3  }
.LBB1_6:
0x5f: {  	_ =	sfence.sel $0x180000  }
0x60: {  	s2 =	simm.s32 $0x1;
	[bflag:$0x0] =	sbarrier.arrive $0xFFFF  }
0x61: {  	s31 =	simm.s32 $0x2;
	[sflag:s2] =	ssyncpa.u1 $0x1  }
0x62: {  	[sflag:s31] =	ssyncpa.u1 $0x1  }
0x63: {  	p0 =	sne.s32 s0, $0x0;
	_ =	strace $0x9000004A  }
0x64: {  	s0 =	sadd.s32 @!p0 $0x100000, s1;
	[bflag:$0x2] =	sbarrier.arrive $0xFFFF  }
0x65: {  	[sflag:s0] =	ssyncadd.tile.s32 @!p0 $0x1;
	_ =	shalt  }
.Lfunc_end1:
_tile_overlayer_lowered:
.L_overlay_start_2:
0x66: {  	(tag) =	ssettag $0x2  }
0x67: {  	s0 =	rddreg [dreg:$0x0];
	s2 =	stileid.u32  }
0x68: {  	s1 =	rddreg [dreg:$0x1];
	p0 =	sne.s32 s2, $0x0  }
0x69: {  	s3 =	rddreg [dreg:$0x2];
	[bflag:$0x3] =	sbarrier.arrive $0xFFFF;
	s2 =	simm.s32 @!p0 $0x1C01  }
0x6a: {  	[timem:s3], [sflag:s2] =	dma.local @!p0 [hbm:s0], s1  }
0x6b: {  	s0 =	simm.s32 @!p0 $0x1  }
0x6c: {  	_ =	swait.ge @!p0 [sflag:s0], s1  }
0x6d: {  	s1 =	ssub.s32 @!p0 $0x0, s1;
	[sflag:s0] =	ssyncset.done @!p0 $0x0  }
0x6e: {  	[sflag:s0] =	ssyncadd.s32 @!p0 s1  }
0x6f: {  	[bflag:$0x3] =	sbarrier.arrive $0xFFFF  }
0x70: {  	_ =	shalt  }

</sc_bundles>
